<compile_context>
chip_gen: v7x
topology: tpu7x:2x2x1
jax: 0.10.2.dev20260603
libtpu: 0.0.44.dev20260713+nightly
codegen_flags: <defaults>
</compile_context>

<pallas_src>
import jax
import jax.numpy as jnp
from jax import lax
from jax.experimental import pallas as pl
from jax.experimental.pallas import tpu as pltpu
from jax.experimental.pallas import tpu_sc as plsc

B = 16384
L = 20
VID = 100001
VIDP = 100008
VT = 10000
VG = 1001
VGP = 1008
NC, NS = 2, 16
NW = NC * NS
PB = B // NW

IDC = 3200
IDALIGN = 99968
IDTAIL = VID - IDALIGN
NMC = 384
NM_FULL = VT // NMC
NMALIGN = NM_FULL * NMC
NMTAIL = VT - NMALIGN

G = 8
CI = PB // G

_MESH = dict(core_axis_name="c", subcore_axis_name="s",
             num_cores=NC, num_subcores=NS)


def _detile_body(tokT, idT, nameT, idtail, nametail,
                 tokf, idf, namef,
                 tok_v, tokout_v, id_v, idout_v, nmin_v, nmout_v,
                 tail_v, ntail_v, sem_in, sem_out):
    wid = lax.axis_index("s") * NC + lax.axis_index("c")
    lane = lax.iota(jnp.int32, 16)

    pltpu.sync_copy(tokT.at[:, pl.ds(wid * PB, PB)], tok_v)

    def tok_body(c, carry):
        for j in range(L):
            tokout_v[pl.ds(j * PB + c * 16, 16)] = tok_v[j, pl.ds(c * 16, 16)]
        return carry

    lax.fori_loop(0, PB // 16, tok_body, 0)
    tok_cp = [pltpu.async_copy(tokout_v.at[pl.ds(j * PB, PB)],
                               tokf.at[pl.ds(j * B + wid * PB, PB)], sem_out)
              for j in range(L)]

    def _id_chunk(off, ncols):
        pltpu.sync_copy(idT.at[:, pl.ds(off, ncols)],
                        id_v.at[:, pl.ds(0, ncols)])
        d8 = lane & 7
        c2 = lane >> 3

        def id_body(c, carry):
            cc = c * 16
            for u in range(8):
                v = plsc.load_gather(
                    id_v, [d8, jnp.full((16,), cc + u * 2, jnp.int32) + c2])
                idout_v[pl.ds((cc + u * 2) * 8, 16)] = v
            return carry

        lax.fori_loop(0, ncols // 16, id_body, 0)
        pltpu.sync_copy(idout_v.at[pl.ds(0, ncols * 8)],
                        idf.at[pl.ds(off * 8, ncols * 8)])

    @pl.when(wid < 31)
    def _id_full():
        _id_chunk(wid * IDC, IDC)

    @pl.when(wid == 31)
    def _id_last():
        _id_chunk(31 * IDC, IDALIGN - 31 * IDC)
        pltpu.sync_copy(idtail, tail_v)
        pltpu.sync_copy(tail_v, idf.at[pl.ds(IDALIGN * 8, IDTAIL * 8)])

    @pl.when(wid < NM_FULL)
    def _name_full():
        off_cols = wid * NMC
        pltpu.sync_copy(nameT.at[:, pl.ds(off_cols, NMC)], nmin_v)

        def row_body(t, carry):
            t0 = t * 8
            for u in range(8):
                v = plsc.load_gather(
                    nmin_v, [lane, jnp.full((16,), u, jnp.int32) + t0])
                nmout_v[pl.ds((t0 + u) * 16, 16)] = v
            return carry

        lax.fori_loop(0, NMC // 8, row_body, 0)
        pltpu.sync_copy(nmout_v, namef.at[pl.ds(off_cols * 16, NMC * 16)])

    @pl.when(wid == NM_FULL)
    def _name_last():
        pltpu.sync_copy(nametail, ntail_v)
        pltpu.sync_copy(ntail_v, namef.at[pl.ds(NMALIGN * 16, NMTAIL * 16)])

    for cp in tok_cp:
        cp.wait()


@jax.jit
def _detile(tokT, idT, nameT, idtail, nametail):
    mesh = plsc.VectorSubcoreMesh(**_MESH)
    return pl.kernel(
        _detile_body,
        out_type=(
            jax.ShapeDtypeStruct((B * L,), jnp.int32),
            jax.ShapeDtypeStruct((VID * 8,), jnp.float32),
            jax.ShapeDtypeStruct((VT * 16,), jnp.float32),
        ),
        mesh=mesh,
        scratch_types=[
            pltpu.VMEM((L, PB), jnp.int32),
            pltpu.VMEM((L * PB,), jnp.int32),
            pltpu.VMEM((8, IDC), jnp.float32),
            pltpu.VMEM((8 * IDC,), jnp.float32),
            pltpu.VMEM((16, NMC), jnp.float32),
            pltpu.VMEM((NMC * 16,), jnp.float32),
            pltpu.VMEM((IDTAIL * 8,), jnp.float32),
            pltpu.VMEM((NMTAIL * 16,), jnp.float32),
            pltpu.SemaphoreType.DMA,
            pltpu.SemaphoreType.DMA,
        ],
        compiler_params=pltpu.CompilerParams(
            needs_layout_passes=False, use_tc_tiling_on_sc=True),
    )(tokT, idT, nameT, idtail, nametail)


def _gather_body(idsf, tok2d, gicsids, id2d, name2d, gicsf, out,
                 tok_v, idid_v, gid_v, gicstab_v, idrow_v,
                 rows0, rows1, out_v, row0_v, rec_v, nz_v,
                 sem_id, sem_n0, sem_n1, sem_out, nmtab):
    wid = lax.axis_index("s") * NC + lax.axis_index("c")
    sid = lax.axis_index("s")
    base = wid * PB
    rows = (rows0, rows1)
    sem_n = (sem_n0, sem_n1)
    lane = lax.iota(jnp.int32, 16)
    lane_lo = lane < 8
    col8 = lane & 7

    nm_rows = VT // NS
    pltpu.sync_copy(name2d.at[pl.ds(sid * nm_rows, nm_rows)],
                    nmtab.at[pl.ds(sid * nm_rows, nm_rows)])

    pltpu.sync_copy(tok2d.at[:, pl.ds(base, PB)], tok_v)
    pltpu.sync_copy(idsf.at[pl.ds(base, PB)], idid_v)
    pltpu.sync_copy(gicsids.at[pl.ds(base, PB)], gid_v)
    pltpu.sync_copy(gicsf, gicstab_v)
    pltpu.sync_copy(name2d.at[pl.ds(0, 1)], row0_v)
    plsc.subcore_barrier()

    id_cp = [pltpu.async_copy(
        id2d.at[idid_v.at[pl.ds(t * 128, 128)]],
        idrow_v.at[pl.ds(t * 128, 128)], sem_id)
        for t in range(PB // 128)]

    def cnt_body(k, carry):
        i0 = k * 16
        cnt = jnp.zeros((16,), jnp.float32)
        for j in range(L):
            cnt = cnt + jnp.where(tok_v[j, pl.ds(i0, 16)] != 0, 1.0, 0.0)
        rec_v[pl.ds(i0, 16)] = 1.0 / jnp.maximum(cnt, jnp.float32(1.0))
        nz_v[pl.ds(i0, 16)] = jnp.float32(L) - cnt
        return carry

    lax.fori_loop(0, PB // 16, cnt_body, 0)

    row0 = row0_v[0, :]
    for cp in id_cp:
        cp.wait()
    mrow = jnp.where(lane_lo, lane, lane + 16)
    nrow = lane + 8

    def process_group(g, buf):
        def item_body(k, carry, g=g, buf=buf):
            for u in range(2):
                li = k * 2 + u
                gi = g * CI + li
                acc = rows[buf][li, :]
                gsp = jnp.full((16,), gi, dtype=jnp.int32)
                nz = plsc.load_gather(nz_v, [gsp])
                rec = plsc.load_gather(rec_v, [gsp])
                name = (acc - nz * row0) * rec
                idv16 = plsc.load_gather(idrow_v, [gsp, col8])
                gsplat = plsc.load_gather(gid_v, [gsp])
                gicsv = plsc.load_gather(gicstab_v, [col8 * VG + gsplat])
                merged = jnp.where(lane_lo, idv16, gicsv)
                plsc.store_scatter(out_v, [mrow, gsp], merged)
                plsc.store_scatter(out_v, [nrow, gsp], name)
            return carry

        lax.fori_loop(0, CI // 2, item_body, 0)

    pend = None
    for g in range(G):
        buf = g % 2
        cp0 = pltpu.async_copy(
            nmtab.at[tok_v.at[0, pl.ds(g * CI, CI)]],
            rows[buf], sem_n[buf])
        cp0.wait()
        adds = [pltpu.async_copy(
            nmtab.at[tok_v.at[j, pl.ds(g * CI, CI)]],
            rows[buf], sem_n[buf], add=True)
            for j in range(1, L)]
        if g > 0:
            process_group(g - 1, 1 - buf)
        for cp in adds:
            cp.wait()
        pend = buf
    process_group(G - 1, pend)

    pltpu.sync_copy(out_v, out.at[:, pl.ds(base, PB)])


@jax.jit
def _gather(idsf, tok2d, gicsids, id2d, name2d, gicsf):
    mesh = plsc.VectorSubcoreMesh(**_MESH)
    return pl.kernel(
        _gather_body,
        out_type=jax.ShapeDtypeStruct((32, B), jnp.float32),
        mesh=mesh,
        scratch_types=[
            pltpu.VMEM((L, PB), jnp.int32),
            pltpu.VMEM((PB,), jnp.int32),
            pltpu.VMEM((PB,), jnp.int32),
            pltpu.VMEM((8 * VG,), jnp.float32),
            pltpu.VMEM((PB, 8), jnp.float32),
            pltpu.VMEM((CI, 16), jnp.float32),
            pltpu.VMEM((CI, 16), jnp.float32),
            pltpu.VMEM((32, PB), jnp.float32),
            pltpu.VMEM((1, 16), jnp.float32),
            pltpu.VMEM((PB,), jnp.float32),
            pltpu.VMEM((PB,), jnp.float32),
            pltpu.SemaphoreType.DMA,
            pltpu.SemaphoreType.DMA,
            pltpu.SemaphoreType.DMA,
            pltpu.SemaphoreType.DMA,
            pltpu.MemorySpace.VMEM_SHARED((VT, 16), jnp.float32),
        ],
        compiler_params=pltpu.CompilerParams(
            needs_layout_passes=False, use_tc_tiling_on_sc=False),
    )(idsf, tok2d, gicsids, id2d, name2d, gicsf)


def kernel(item_id, item_name_tokens, item_gics, emb_id, emb_name, emb_gics):
    idsf = item_id.astype(jnp.int32)
    gicsids = item_gics.astype(jnp.int32)
    idtail = emb_id[IDALIGN:].reshape(-1)
    nametail = emb_name[NMALIGN:].reshape(-1)
    gicsf = emb_gics.T.reshape(-1)
    tokf, idf, namef = _detile(
        item_name_tokens.astype(jnp.int32).T, emb_id.T, emb_name.T,
        idtail, nametail)
    outT = _gather(idsf, tokf.reshape(L, B), gicsids, idf.reshape(VID, 8),
                   namef.reshape(VT, 16), gicsf)
    return outT.T

# --- scband reference (transcript-rebuilt; emitter-appended) ---
"""Pipeline reference for scband-item-model-32804960207417 (READ-ONLY COPY).

The authoritative reference and input builder live on the scoring server;
editing this copy changes nothing except your own understanding.
"""

import jax, jax.numpy as jnp
import numpy as np


def setup_inputs(seed: int = 0) -> dict:
    key = jax.random.key(seed)
    k1, k2, k3, k4, k5, k6 = jax.random.split(key, 6)
    B = 16384
    L = 20
    VID = 100001   # len(unique_item_ids) + 1 (StringLookup OOV bucket)
    VG = 1001      # len(unique_item_gics) + 1
    VT = 10000     # TextVectorization max_tokens (index 0 = mask/pad)
    item_id = jax.random.randint(k1, (B,), 0, VID, dtype=jnp.int64) if jax.config.jax_enable_x64 else jax.random.randint(k1, (B,), 0, VID).astype(jnp.int32)
    item_name_tokens = jax.random.randint(k2, (B, L), 0, VT).astype(item_id.dtype)
    item_gics = jax.random.randint(k3, (B,), 0, VG).astype(item_id.dtype)
    emb_id = jax.random.normal(k4, (VID, 8), dtype=jnp.float32) * 0.05
    emb_name = jax.random.normal(k5, (VT, 16), dtype=jnp.float32) * 0.05
    emb_gics = jax.random.normal(k6, (VG, 8), dtype=jnp.float32) * 0.05
    return {
        "item_id": item_id,
        "item_name_tokens": item_name_tokens,
        "item_gics": item_gics,
        "emb_id": emb_id,
        "emb_name": emb_name,
        "emb_gics": emb_gics,
    }


def reference(item_id, item_name_tokens, item_gics, emb_id, emb_name, emb_gics):
    # embed_item_id: StringLookup (precomputed integer ids) -> Embedding(VID, 8)
    id_vec = jnp.take(emb_id, item_id, axis=0)                     # [B, 8]
    # embed_item_gics: StringLookup -> Embedding(VG, 8)
    gics_vec = jnp.take(emb_gics, item_gics, axis=0)               # [B, 8]
    # embed_item_name: TextVectorization (precomputed token ids) ->
    #   Embedding(VT, 16, mask_zero=True) -> GlobalAveragePooling1D (masked mean)
    tok = jnp.take(emb_name, item_name_tokens, axis=0)             # [B, L, 16]
    mask = (item_name_tokens != 0).astype(tok.dtype)               # mask_zero
    summed = jnp.sum(tok * mask[..., None], axis=1)                # [B, 16]
    cnt = jnp.maximum(jnp.sum(mask, axis=1, keepdims=True), 1.0)
    name_vec = summed / cnt                                        # [B, 16]
    return jnp.concatenate([id_vec, name_vec, gics_vec], axis=1)   # [B, 32]

if __name__ == "__main__":
    import jax
    _d = setup_inputs()
    print(jax.jit(kernel)(*tuple(_d.values())))

</pallas_src>

<mosaic_0001>
#map = affine_map<(d0, d1) -> (0, 0)>
#map1 = affine_map<(d0, d1) -> (0)>
module attributes {stable_mosaic.version = 14 : i64} {
  func.func @_detile_body(%arg0: i32, %arg1: i32, %arg2: memref<20x16384xi32, #tpu.memory_space<hbm>>, %arg3: memref<8x100001xf32, #tpu.memory_space<hbm>>, %arg4: memref<16x10000xf32, #tpu.memory_space<hbm>>, %arg5: memref<264xf32, #tpu.memory_space<hbm>>, %arg6: memref<256xf32, #tpu.memory_space<hbm>>, %arg7: memref<327680xi32, #tpu.memory_space<hbm>>, %arg8: memref<800008xf32, #tpu.memory_space<hbm>>, %arg9: memref<160000xf32, #tpu.memory_space<hbm>>, %arg10: memref<20x512xi32, #tpu.memory_space<vmem>>, %arg11: memref<10240xi32, #tpu.memory_space<vmem>>, %arg12: memref<8x3200xf32, #tpu.memory_space<vmem>>, %arg13: memref<25600xf32, #tpu.memory_space<vmem>>, %arg14: memref<16x384xf32, #tpu.memory_space<vmem>>, %arg15: memref<6144xf32, #tpu.memory_space<vmem>>, %arg16: memref<264xf32, #tpu.memory_space<vmem>>, %arg17: memref<256xf32, #tpu.memory_space<vmem>>, %arg18: memref<!tpu.dma_semaphore, #tpu.memory_space<semaphore_mem>>, %arg19: memref<!tpu.dma_semaphore, #tpu.memory_space<semaphore_mem>>) attributes {dimension_semantics = [#tpu.dimension_semantics<core_parallel>, #tpu.dimension_semantics<subcore_parallel>], iteration_bounds = array<i64: 2, 16>, scalar_prefetch = 0 : i64, scratch_operands = 10 : i64, tpu.core_type = #tpu.core_type<sc_vector_subcore>, window_params = [{transform_indices = #map}, {transform_indices = #map}, {transform_indices = #map}, {transform_indices = #map1}, {transform_indices = #map1}, {transform_indices = #map1}, {transform_indices = #map1}, {transform_indices = #map1}]} {
    %mul3A = arith.constant 2 : i32
    %mul3A_0 = arith.muli %arg1, %mul3A : i32
    %add3A = arith.addi %mul3A_0, %arg0 : i32
    %iota3A = tpu.iota {dimensions = array<i32: 0>} : vector<16xi32>
    %mul3A_1 = arith.constant 512 : i32
    %mul3A_2 = arith.muli %add3A, %mul3A_1 : i32
    "tpu.region"() ({
      %run_scoped3A = tpu.sem_alloc : memref<!tpu.dma_semaphore, #tpu.memory_space<semaphore_mem>>
      %dma_start3A_342 = arith.constant 0 : i32
      %dma_start3A_343 = tpu.memref_slice %arg2[%dma_start3A_342, %mul3A_2] : memref<20x16384xi32, #tpu.memory_space<hbm>> -> memref<20x512xi32, #tpu.memory_space<hbm>>
      %dma_start3A_344 = arith.constant 0 : i32
      %dma_start3A_345 = tpu.memref_slice %arg2[%dma_start3A_344, %mul3A_2] : memref<20x16384xi32, #tpu.memory_space<hbm>> -> memref<20x512xi32, #tpu.memory_space<hbm>>
      tpu.enqueue_dma source(%dma_start3A_345 : memref<20x512xi32, #tpu.memory_space<hbm>>) target(%arg10 : memref<20x512xi32, #tpu.memory_space<vmem>>) target_semaphore(%run_scoped3A : memref<!tpu.dma_semaphore, #tpu.memory_space<semaphore_mem>>)
      %dma_wait3A_346 = arith.constant 0 : i32
      %dma_wait3A_347 = tpu.memref_slice %arg2[%dma_wait3A_346, %mul3A_2] : memref<20x16384xi32, #tpu.memory_space<hbm>> -> memref<20x512xi32, #tpu.memory_space<hbm>>
      %dma_wait3A_348 = arith.constant 0 : i32
      %dma_wait3A_349 = tpu.memref_slice %arg2[%dma_wait3A_348, %mul3A_2] : memref<20x16384xi32, #tpu.memory_space<hbm>> -> memref<20x512xi32, #tpu.memory_space<hbm>>
      tpu.wait_dma2 semaphore(%run_scoped3A : memref<!tpu.dma_semaphore, #tpu.memory_space<semaphore_mem>>) src(%dma_wait3A_349 : memref<20x512xi32, #tpu.memory_space<hbm>>) dst(%arg10 : memref<20x512xi32, #tpu.memory_space<vmem>>)
      tpu.yield
    }) : () -> ()
    %scan3A = arith.constant 0 : i32
    %scan3A_3 = arith.constant 0 : i32
    %scan3A_4 = arith.constant 32 : i32
    %scan3A_5 = arith.addi %scan3A_3, %scan3A_4 : i32
    %scan3A_6 = arith.constant 1 : i32
    scf.for %scan3A_342 = %scan3A_3 to %scan3A_5 step %scan3A_6  : i32 {
      %mul3A_343 = arith.constant 16 : i32
      %mul3A_344 = arith.muli %scan3A_342, %mul3A_343 : i32
      %get3A = arith.constant 0 : i32
      %get3A_345 = arith.index_cast %get3A : i32 to index
      %get3A_346 = arith.index_cast %mul3A_344 : i32 to index
      %get3A_347 = tpu.vector_load %arg10[%get3A_345, %get3A_346] {strides = array<i32>} : memref<20x512xi32, #tpu.memory_space<vmem>>, vector<16xi32>,
      %mul3A_348 = arith.constant 16 : i32
      %mul3A_349 = arith.muli %scan3A_342, %mul3A_348 : i32
      %add3A_350 = arith.constant 0 : i32
      %add3A_351 = arith.addi %add3A_350, %mul3A_349 : i32
      %swap3A = arith.index_cast %add3A_351 : i32 to index
      %swap3A_352 = tpu.vector_load %arg11[%swap3A] {strides = array<i32>} : memref<10240xi32, #tpu.memory_space<vmem>>, vector<16xi32>,
      tpu.vector_store %arg11[%swap3A], %get3A_347 {strides = array<i32>} : memref<10240xi32, #tpu.memory_space<vmem>>, vector<16xi32>,
      %mul3A_353 = arith.constant 16 : i32
      %mul3A_354 = arith.muli %scan3A_342, %mul3A_353 : i32
      %get3A_355 = arith.constant 1 : i32
      %get3A_356 = arith.index_cast %get3A_355 : i32 to index
      %get3A_357 = arith.index_cast %mul3A_354 : i32 to index
      %get3A_358 = tpu.vector_load %arg10[%get3A_356, %get3A_357] {strides = array<i32>} : memref<20x512xi32, #tpu.memory_space<vmem>>, vector<16xi32>,
      %mul3A_359 = arith.constant 16 : i32
      %mul3A_360 = arith.muli %scan3A_342, %mul3A_359 : i32
      %add3A_361 = arith.constant 512 : i32
      %add3A_362 = arith.addi %add3A_361, %mul3A_360 : i32
      %swap3A_363 = arith.index_cast %add3A_362 : i32 to index
      %swap3A_364 = tpu.vector_load %arg11[%swap3A_363] {strides = array<i32>} : memref<10240xi32, #tpu.memory_space<vmem>>, vector<16xi32>,
      tpu.vector_store %arg11[%swap3A_363], %get3A_358 {strides = array<i32>} : memref<10240xi32, #tpu.memory_space<vmem>>, vector<16xi32>,
      %mul3A_365 = arith.constant 16 : i32
      %mul3A_366 = arith.muli %scan3A_342, %mul3A_365 : i32
      %get3A_367 = arith.constant 2 : i32
      %get3A_368 = arith.index_cast %get3A_367 : i32 to index
      %get3A_369 = arith.index_cast %mul3A_366 : i32 to index
      %get3A_370 = tpu.vector_load %arg10[%get3A_368, %get3A_369] {strides = array<i32>} : memref<20x512xi32, #tpu.memory_space<vmem>>, vector<16xi32>,
      %mul3A_371 = arith.constant 16 : i32
      %mul3A_372 = arith.muli %scan3A_342, %mul3A_371 : i32
      %add3A_373 = arith.constant 1024 : i32
      %add3A_374 = arith.addi %add3A_373, %mul3A_372 : i32
      %swap3A_375 = arith.index_cast %add3A_374 : i32 to index
      %swap3A_376 = tpu.vector_load %arg11[%swap3A_375] {strides = array<i32>} : memref<10240xi32, #tpu.memory_space<vmem>>, vector<16xi32>,
      tpu.vector_store %arg11[%swap3A_375], %get3A_370 {strides = array<i32>} : memref<10240xi32, #tpu.memory_space<vmem>>, vector<16xi32>,
      %mul3A_377 = arith.constant 16 : i32
      %mul3A_378 = arith.muli %scan3A_342, %mul3A_377 : i32
      %get3A_379 = arith.constant 3 : i32
      %get3A_380 = arith.index_cast %get3A_379 : i32 to index
      %get3A_381 = arith.index_cast %mul3A_378 : i32 to index
      %get3A_382 = tpu.vector_load %arg10[%get3A_380, %get3A_381] {strides = array<i32>} : memref<20x512xi32, #tpu.memory_space<vmem>>, vector<16xi32>,
      %mul3A_383 = arith.constant 16 : i32
      %mul3A_384 = arith.muli %scan3A_342, %mul3A_383 : i32
      %add3A_385 = arith.constant 1536 : i32
      %add3A_386 = arith.addi %add3A_385, %mul3A_384 : i32
      %swap3A_387 = arith.index_cast %add3A_386 : i32 to index
      %swap3A_388 = tpu.vector_load %arg11[%swap3A_387] {strides = array<i32>} : memref<10240xi32, #tpu.memory_space<vmem>>, vector<16xi32>,
      tpu.vector_store %arg11[%swap3A_387], %get3A_382 {strides = array<i32>} : memref<10240xi32, #tpu.memory_space<vmem>>, vector<16xi32>,
      %mul3A_389 = arith.constant 16 : i32
      %mul3A_390 = arith.muli %scan3A_342, %mul3A_389 : i32
      %get3A_391 = arith.constant 4 : i32
      %get3A_392 = arith.index_cast %get3A_391 : i32 to index
      %get3A_393 = arith.index_cast %mul3A_390 : i32 to index
      %get3A_394 = tpu.vector_load %arg10[%get3A_392, %get3A_393] {strides = array<i32>} : memref<20x512xi32, #tpu.memory_space<vmem>>, vector<16xi32>,
      %mul3A_395 = arith.constant 16 : i32
      %mul3A_396 = arith.muli %scan3A_342, %mul3A_395 : i32
      %add3A_397 = arith.constant 2048 : i32
      %add3A_398 = arith.addi %add3A_397, %mul3A_396 : i32
      %swap3A_399 = arith.index_cast %add3A_398 : i32 to index
      %swap3A_400 = tpu.vector_load %arg11[%swap3A_399] {strides = array<i32>} : memref<10240xi32, #tpu.memory_space<vmem>>, vector<16xi32>,
      tpu.vector_store %arg11[%swap3A_399], %get3A_394 {strides = array<i32>} : memref<10240xi32, #tpu.memory_space<vmem>>, vector<16xi32>,
      %mul3A_401 = arith.constant 16 : i32
      %mul3A_402 = arith.muli %scan3A_342, %mul3A_401 : i32
      %get3A_403 = arith.constant 5 : i32
      %get3A_404 = arith.index_cast %get3A_403 : i32 to index
      %get3A_405 = arith.index_cast %mul3A_402 : i32 to index
      %get3A_406 = tpu.vector_load %arg10[%get3A_404, %get3A_405] {strides = array<i32>} : memref<20x512xi32, #tpu.memory_space<vmem>>, vector<16xi32>,
      %mul3A_407 = arith.constant 16 : i32
      %mul3A_408 = arith.muli %scan3A_342, %mul3A_407 : i32
      %add3A_409 = arith.constant 2560 : i32
      %add3A_410 = arith.addi %add3A_409, %mul3A_408 : i32
      %swap3A_411 = arith.index_cast %add3A_410 : i32 to index
      %swap3A_412 = tpu.vector_load %arg11[%swap3A_411] {strides = array<i32>} : memref<10240xi32, #tpu.memory_space<vmem>>, vector<16xi32>,
      tpu.vector_store %arg11[%swap3A_411], %get3A_406 {strides = array<i32>} : memref<10240xi32, #tpu.memory_space<vmem>>, vector<16xi32>,
      %mul3A_413 = arith.constant 16 : i32
      %mul3A_414 = arith.muli %scan3A_342, %mul3A_413 : i32
      %get3A_415 = arith.constant 6 : i32
      %get3A_416 = arith.index_cast %get3A_415 : i32 to index
      %get3A_417 = arith.index_cast %mul3A_414 : i32 to index
      %get3A_418 = tpu.vector_load %arg10[%get3A_416, %get3A_417] {strides = array<i32>} : memref<20x512xi32, #tpu.memory_space<vmem>>, vector<16xi32>,
      %mul3A_419 = arith.constant 16 : i32
      %mul3A_420 = arith.muli %scan3A_342, %mul3A_419 : i32
      %add3A_421 = arith.constant 3072 : i32
      %add3A_422 = arith.addi %add3A_421, %mul3A_420 : i32
      %swap3A_423 = arith.index_cast %add3A_422 : i32 to index
      %swap3A_424 = tpu.vector_load %arg11[%swap3A_423] {strides = array<i32>} : memref<10240xi32, #tpu.memory_space<vmem>>, vector<16xi32>,
      tpu.vector_store %arg11[%swap3A_423], %get3A_418 {strides = array<i32>} : memref<10240xi32, #tpu.memory_space<vmem>>, vector<16xi32>,
      %mul3A_425 = arith.constant 16 : i32
      %mul3A_426 = arith.muli %scan3A_342, %mul3A_425 : i32
      %get3A_427 = arith.constant 7 : i32
      %get3A_428 = arith.index_cast %get3A_427 : i32 to index
      %get3A_429 = arith.index_cast %mul3A_426 : i32 to index
      %get3A_430 = tpu.vector_load %arg10[%get3A_428, %get3A_429] {strides = array<i32>} : memref<20x512xi32, #tpu.memory_space<vmem>>, vector<16xi32>,
      %mul3A_431 = arith.constant 16 : i32
      %mul3A_432 = arith.muli %scan3A_342, %mul3A_431 : i32
      %add3A_433 = arith.constant 3584 : i32
      %add3A_434 = arith.addi %add3A_433, %mul3A_432 : i32
      %swap3A_435 = arith.index_cast %add3A_434 : i32 to index
      %swap3A_436 = tpu.vector_load %arg11[%swap3A_435] {strides = array<i32>} : memref<10240xi32, #tpu.memory_space<vmem>>, vector<16xi32>,
      tpu.vector_store %arg11[%swap3A_435], %get3A_430 {strides = array<i32>} : memref<10240xi32, #tpu.memory_space<vmem>>, vector<16xi32>,
      %mul3A_437 = arith.constant 16 : i32
      %mul3A_438 = arith.muli %scan3A_342, %mul3A_437 : i32
      %get3A_439 = arith.constant 8 : i32
      %get3A_440 = arith.index_cast %get3A_439 : i32 to index
      %get3A_441 = arith.index_cast %mul3A_438 : i32 to index
      %get3A_442 = tpu.vector_load %arg10[%get3A_440, %get3A_441] {strides = array<i32>} : memref<20x512xi32, #tpu.memory_space<vmem>>, vector<16xi32>,
      %mul3A_443 = arith.constant 16 : i32
      %mul3A_444 = arith.muli %scan3A_342, %mul3A_443 : i32
      %add3A_445 = arith.constant 4096 : i32
      %add3A_446 = arith.addi %add3A_445, %mul3A_444 : i32
      %swap3A_447 = arith.index_cast %add3A_446 : i32 to index
      %swap3A_448 = tpu.vector_load %arg11[%swap3A_447] {strides = array<i32>} : memref<10240xi32, #tpu.memory_space<vmem>>, vector<16xi32>,
      tpu.vector_store %arg11[%swap3A_447], %get3A_442 {strides = array<i32>} : memref<10240xi32, #tpu.memory_space<vmem>>, vector<16xi32>,
      %mul3A_449 = arith.constant 16 : i32
      %mul3A_450 = arith.muli %scan3A_342, %mul3A_449 : i32
      %get3A_451 = arith.constant 9 : i32
      %get3A_452 = arith.index_cast %get3A_451 : i32 to index
      %get3A_453 = arith.index_cast %mul3A_450 : i32 to index
      %get3A_454 = tpu.vector_load %arg10[%get3A_452, %get3A_453] {strides = array<i32>} : memref<20x512xi32, #tpu.memory_space<vmem>>, vector<16xi32>,
      %mul3A_455 = arith.constant 16 : i32
      %mul3A_456 = arith.muli %scan3A_342, %mul3A_455 : i32
      %add3A_457 = arith.constant 4608 : i32
      %add3A_458 = arith.addi %add3A_457, %mul3A_456 : i32
      %swap3A_459 = arith.index_cast %add3A_458 : i32 to index
      %swap3A_460 = tpu.vector_load %arg11[%swap3A_459] {strides = array<i32>} : memref<10240xi32, #tpu.memory_space<vmem>>, vector<16xi32>,
      tpu.vector_store %arg11[%swap3A_459], %get3A_454 {strides = array<i32>} : memref<10240xi32, #tpu.memory_space<vmem>>, vector<16xi32>,
      %mul3A_461 = arith.constant 16 : i32
      %mul3A_462 = arith.muli %scan3A_342, %mul3A_461 : i32
      %get3A_463 = arith.constant 10 : i32
      %get3A_464 = arith.index_cast %get3A_463 : i32 to index
      %get3A_465 = arith.index_cast %mul3A_462 : i32 to index
      %get3A_466 = tpu.vector_load %arg10[%get3A_464, %get3A_465] {strides = array<i32>} : memref<20x512xi32, #tpu.memory_space<vmem>>, vector<16xi32>,
      %mul3A_467 = arith.constant 16 : i32
      %mul3A_468 = arith.muli %scan3A_342, %mul3A_467 : i32
      %add3A_469 = arith.constant 5120 : i32
      %add3A_470 = arith.addi %add3A_469, %mul3A_468 : i32
      %swap3A_471 = arith.index_cast %add3A_470 : i32 to index
      %swap3A_472 = tpu.vector_load %arg11[%swap3A_471] {strides = array<i32>} : memref<10240xi32, #tpu.memory_space<vmem>>, vector<16xi32>,
      tpu.vector_store %arg11[%swap3A_471], %get3A_466 {strides = array<i32>} : memref<10240xi32, #tpu.memory_space<vmem>>, vector<16xi32>,
      %mul3A_473 = arith.constant 16 : i32
      %mul3A_474 = arith.muli %scan3A_342, %mul3A_473 : i32
      %get3A_475 = arith.constant 11 : i32
      %get3A_476 = arith.index_cast %get3A_475 : i32 to index
      %get3A_477 = arith.index_cast %mul3A_474 : i32 to index
      %get3A_478 = tpu.vector_load %arg10[%get3A_476, %get3A_477] {strides = array<i32>} : memref<20x512xi32, #tpu.memory_space<vmem>>, vector<16xi32>,
      %mul3A_479 = arith.constant 16 : i32
      %mul3A_480 = arith.muli %scan3A_342, %mul3A_479 : i32
      %add3A_481 = arith.constant 5632 : i32
      %add3A_482 = arith.addi %add3A_481, %mul3A_480 : i32
      %swap3A_483 = arith.index_cast %add3A_482 : i32 to index
      %swap3A_484 = tpu.vector_load %arg11[%swap3A_483] {strides = array<i32>} : memref<10240xi32, #tpu.memory_space<vmem>>, vector<16xi32>,
      tpu.vector_store %arg11[%swap3A_483], %get3A_478 {strides = array<i32>} : memref<10240xi32, #tpu.memory_space<vmem>>, vector<16xi32>,
      %mul3A_485 = arith.constant 16 : i32
      %mul3A_486 = arith.muli %scan3A_342, %mul3A_485 : i32
      %get3A_487 = arith.constant 12 : i32
      %get3A_488 = arith.index_cast %get3A_487 : i32 to index
      %get3A_489 = arith.index_cast %mul3A_486 : i32 to index
      %get3A_490 = tpu.vector_load %arg10[%get3A_488, %get3A_489] {strides = array<i32>} : memref<20x512xi32, #tpu.memory_space<vmem>>, vector<16xi32>,
      %mul3A_491 = arith.constant 16 : i32
      %mul3A_492 = arith.muli %scan3A_342, %mul3A_491 : i32
      %add3A_493 = arith.constant 6144 : i32
      %add3A_494 = arith.addi %add3A_493, %mul3A_492 : i32
      %swap3A_495 = arith.index_cast %add3A_494 : i32 to index
      %swap3A_496 = tpu.vector_load %arg11[%swap3A_495] {strides = array<i32>} : memref<10240xi32, #tpu.memory_space<vmem>>, vector<16xi32>,
      tpu.vector_store %arg11[%swap3A_495], %get3A_490 {strides = array<i32>} : memref<10240xi32, #tpu.memory_space<vmem>>, vector<16xi32>,
      %mul3A_497 = arith.constant 16 : i32
      %mul3A_498 = arith.muli %scan3A_342, %mul3A_497 : i32
      %get3A_499 = arith.constant 13 : i32
      %get3A_500 = arith.index_cast %get3A_499 : i32 to index
      %get3A_501 = arith.index_cast %mul3A_498 : i32 to index
      %get3A_502 = tpu.vector_load %arg10[%get3A_500, %get3A_501] {strides = array<i32>} : memref<20x512xi32, #tpu.memory_space<vmem>>, vector<16xi32>,
      %mul3A_503 = arith.constant 16 : i32
      %mul3A_504 = arith.muli %scan3A_342, %mul3A_503 : i32
      %add3A_505 = arith.constant 6656 : i32
      %add3A_506 = arith.addi %add3A_505, %mul3A_504 : i32
      %swap3A_507 = arith.index_cast %add3A_506 : i32 to index
      %swap3A_508 = tpu.vector_load %arg11[%swap3A_507] {strides = array<i32>} : memref<10240xi32, #tpu.memory_space<vmem>>, vector<16xi32>,
      tpu.vector_store %arg11[%swap3A_507], %get3A_502 {strides = array<i32>} : memref<10240xi32, #tpu.memory_space<vmem>>, vector<16xi32>,
      %mul3A_509 = arith.constant 16 : i32
      %mul3A_510 = arith.muli %scan3A_342, %mul3A_509 : i32
      %get3A_511 = arith.constant 14 : i32
      %get3A_512 = arith.index_cast %get3A_511 : i32 to index
      %get3A_513 = arith.index_cast %mul3A_510 : i32 to index
      %get3A_514 = tpu.vector_load %arg10[%get3A_512, %get3A_513] {strides = array<i32>} : memref<20x512xi32, #tpu.memory_space<vmem>>, vector<16xi32>,
      %mul3A_515 = arith.constant 16 : i32
      %mul3A_516 = arith.muli %scan3A_342, %mul3A_515 : i32
      %add3A_517 = arith.constant 7168 : i32
      %add3A_518 = arith.addi %add3A_517, %mul3A_516 : i32
      %swap3A_519 = arith.index_cast %add3A_518 : i32 to index
      %swap3A_520 = tpu.vector_load %arg11[%swap3A_519] {strides = array<i32>} : memref<10240xi32, #tpu.memory_space<vmem>>, vector<16xi32>,
      tpu.vector_store %arg11[%swap3A_519], %get3A_514 {strides = array<i32>} : memref<10240xi32, #tpu.memory_space<vmem>>, vector<16xi32>,
      %mul3A_521 = arith.constant 16 : i32
      %mul3A_522 = arith.muli %scan3A_342, %mul3A_521 : i32
      %get3A_523 = arith.constant 15 : i32
      %get3A_524 = arith.index_cast %get3A_523 : i32 to index
      %get3A_525 = arith.index_cast %mul3A_522 : i32 to index
      %get3A_526 = tpu.vector_load %arg10[%get3A_524, %get3A_525] {strides = array<i32>} : memref<20x512xi32, #tpu.memory_space<vmem>>, vector<16xi32>,
      %mul3A_527 = arith.constant 16 : i32
      %mul3A_528 = arith.muli %scan3A_342, %mul3A_527 : i32
      %add3A_529 = arith.constant 7680 : i32
      %add3A_530 = arith.addi %add3A_529, %mul3A_528 : i32
      %swap3A_531 = arith.index_cast %add3A_530 : i32 to index
      %swap3A_532 = tpu.vector_load %arg11[%swap3A_531] {strides = array<i32>} : memref<10240xi32, #tpu.memory_space<vmem>>, vector<16xi32>,
      tpu.vector_store %arg11[%swap3A_531], %get3A_526 {strides = array<i32>} : memref<10240xi32, #tpu.memory_space<vmem>>, vector<16xi32>,
      %mul3A_533 = arith.constant 16 : i32
      %mul3A_534 = arith.muli %scan3A_342, %mul3A_533 : i32
      %get3A_535 = arith.constant 16 : i32
      %get3A_536 = arith.index_cast %get3A_535 : i32 to index
      %get3A_537 = arith.index_cast %mul3A_534 : i32 to index
      %get3A_538 = tpu.vector_load %arg10[%get3A_536, %get3A_537] {strides = array<i32>} : memref<20x512xi32, #tpu.memory_space<vmem>>, vector<16xi32>,
      %mul3A_539 = arith.constant 16 : i32
      %mul3A_540 = arith.muli %scan3A_342, %mul3A_539 : i32
      %add3A_541 = arith.constant 8192 : i32
      %add3A_542 = arith.addi %add3A_541, %mul3A_540 : i32
      %swap3A_543 = arith.index_cast %add3A_542 : i32 to index
      %swap3A_544 = tpu.vector_load %arg11[%swap3A_543] {strides = array<i32>} : memref<10240xi32, #tpu.memory_space<vmem>>, vector<16xi32>,
      tpu.vector_store %arg11[%swap3A_543], %get3A_538 {strides = array<i32>} : memref<10240xi32, #tpu.memory_space<vmem>>, vector<16xi32>,
      %mul3A_545 = arith.constant 16 : i32
      %mul3A_546 = arith.muli %scan3A_342, %mul3A_545 : i32
      %get3A_547 = arith.constant 17 : i32
      %get3A_548 = arith.index_cast %get3A_547 : i32 to index
      %get3A_549 = arith.index_cast %mul3A_546 : i32 to index
      %get3A_550 = tpu.vector_load %arg10[%get3A_548, %get3A_549] {strides = array<i32>} : memref<20x512xi32, #tpu.memory_space<vmem>>, vector<16xi32>,
      %mul3A_551 = arith.constant 16 : i32
      %mul3A_552 = arith.muli %scan3A_342, %mul3A_551 : i32
      %add3A_553 = arith.constant 8704 : i32
      %add3A_554 = arith.addi %add3A_553, %mul3A_552 : i32
      %swap3A_555 = arith.index_cast %add3A_554 : i32 to index
      %swap3A_556 = tpu.vector_load %arg11[%swap3A_555] {strides = array<i32>} : memref<10240xi32, #tpu.memory_space<vmem>>, vector<16xi32>,
      tpu.vector_store %arg11[%swap3A_555], %get3A_550 {strides = array<i32>} : memref<10240xi32, #tpu.memory_space<vmem>>, vector<16xi32>,
      %mul3A_557 = arith.constant 16 : i32
      %mul3A_558 = arith.muli %scan3A_342, %mul3A_557 : i32
      %get3A_559 = arith.constant 18 : i32
      %get3A_560 = arith.index_cast %get3A_559 : i32 to index
      %get3A_561 = arith.index_cast %mul3A_558 : i32 to index
      %get3A_562 = tpu.vector_load %arg10[%get3A_560, %get3A_561] {strides = array<i32>} : memref<20x512xi32, #tpu.memory_space<vmem>>, vector<16xi32>,
      %mul3A_563 = arith.constant 16 : i32
      %mul3A_564 = arith.muli %scan3A_342, %mul3A_563 : i32
      %add3A_565 = arith.constant 9216 : i32
      %add3A_566 = arith.addi %add3A_565, %mul3A_564 : i32
      %swap3A_567 = arith.index_cast %add3A_566 : i32 to index
      %swap3A_568 = tpu.vector_load %arg11[%swap3A_567] {strides = array<i32>} : memref<10240xi32, #tpu.memory_space<vmem>>, vector<16xi32>,
      tpu.vector_store %arg11[%swap3A_567], %get3A_562 {strides = array<i32>} : memref<10240xi32, #tpu.memory_space<vmem>>, vector<16xi32>,
      %mul3A_569 = arith.constant 16 : i32
      %mul3A_570 = arith.muli %scan3A_342, %mul3A_569 : i32
      %get3A_571 = arith.constant 19 : i32
      %get3A_572 = arith.index_cast %get3A_571 : i32 to index
      %get3A_573 = arith.index_cast %mul3A_570 : i32 to index
      %get3A_574 = tpu.vector_load %arg10[%get3A_572, %get3A_573] {strides = array<i32>} : memref<20x512xi32, #tpu.memory_space<vmem>>, vector<16xi32>,
      %mul3A_575 = arith.constant 16 : i32
      %mul3A_576 = arith.muli %scan3A_342, %mul3A_575 : i32
      %add3A_577 = arith.constant 9728 : i32
      %add3A_578 = arith.addi %add3A_577, %mul3A_576 : i32
      %swap3A_579 = arith.index_cast %add3A_578 : i32 to index
      %swap3A_580 = tpu.vector_load %arg11[%swap3A_579] {strides = array<i32>} : memref<10240xi32, #tpu.memory_space<vmem>>, vector<16xi32>,
      tpu.vector_store %arg11[%swap3A_579], %get3A_574 {strides = array<i32>} : memref<10240xi32, #tpu.memory_space<vmem>>, vector<16xi32>,
    }
    %scan3A_7 = arith.constant 32 : i32
    %mul3A_8 = arith.constant 512 : i32
    %mul3A_9 = arith.muli %add3A, %mul3A_8 : i32
    %add3A_10 = arith.constant 0 : i32
    %add3A_11 = arith.addi %add3A_10, %mul3A_9 : i32
    %dma_start3A = arith.constant 0 : i32
    %dma_start3A_12 = tpu.memref_slice %arg11[%dma_start3A] : memref<10240xi32, #tpu.memory_space<vmem>> -> memref<512xi32, #tpu.memory_space<vmem>>
    %dma_start3A_13 = tpu.memref_slice %arg7[%add3A_11] : memref<327680xi32, #tpu.memory_space<hbm>> -> memref<512xi32, #tpu.memory_space<hbm>>
    %dma_start3A_14 = tpu.memref_slice %arg7[%add3A_11] : memref<327680xi32, #tpu.memory_space<hbm>> -> memref<512xi32, #tpu.memory_space<hbm>>
    %dma_start3A_15 = arith.constant 0 : i32
    %dma_start3A_16 = tpu.memref_slice %arg11[%dma_start3A_15] : memref<10240xi32, #tpu.memory_space<vmem>> -> memref<512xi32, #tpu.memory_space<vmem>>
    tpu.enqueue_dma source(%dma_start3A_16 : memref<512xi32, #tpu.memory_space<vmem>>) target(%dma_start3A_14 : memref<512xi32, #tpu.memory_space<hbm>>) target_semaphore(%arg19 : memref<!tpu.dma_semaphore, #tpu.memory_space<semaphore_mem>>)
    %mul3A_17 = arith.constant 512 : i32
    %mul3A_18 = arith.muli %add3A, %mul3A_17 : i32
    %add3A_19 = arith.constant 16384 : i32
    %add3A_20 = arith.addi %add3A_19, %mul3A_18 : i32
    %dma_start3A_21 = arith.constant 512 : i32
    %dma_start3A_22 = tpu.memref_slice %arg11[%dma_start3A_21] : memref<10240xi32, #tpu.memory_space<vmem>> -> memref<512xi32, #tpu.memory_space<vmem>>
    %dma_start3A_23 = tpu.memref_slice %arg7[%add3A_20] : memref<327680xi32, #tpu.memory_space<hbm>> -> memref<512xi32, #tpu.memory_space<hbm>>
    %dma_start3A_24 = tpu.memref_slice %arg7[%add3A_20] : memref<327680xi32, #tpu.memory_space<hbm>> -> memref<512xi32, #tpu.memory_space<hbm>>
    %dma_start3A_25 = arith.constant 512 : i32
    %dma_start3A_26 = tpu.memref_slice %arg11[%dma_start3A_25] : memref<10240xi32, #tpu.memory_space<vmem>> -> memref<512xi32, #tpu.memory_space<vmem>>
    tpu.enqueue_dma source(%dma_start3A_26 : memref<512xi32, #tpu.memory_space<vmem>>) target(%dma_start3A_24 : memref<512xi32, #tpu.memory_space<hbm>>) target_semaphore(%arg19 : memref<!tpu.dma_semaphore, #tpu.memory_space<semaphore_mem>>)
    %mul3A_27 = arith.constant 512 : i32
    %mul3A_28 = arith.muli %add3A, %mul3A_27 : i32
    %add3A_29 = arith.constant 32768 : i32
    %add3A_30 = arith.addi %add3A_29, %mul3A_28 : i32
    %dma_start3A_31 = arith.constant 1024 : i32
    %dma_start3A_32 = tpu.memref_slice %arg11[%dma_start3A_31] : memref<10240xi32, #tpu.memory_space<vmem>> -> memref<512xi32, #tpu.memory_space<vmem>>
    %dma_start3A_33 = tpu.memref_slice %arg7[%add3A_30] : memref<327680xi32, #tpu.memory_space<hbm>> -> memref<512xi32, #tpu.memory_space<hbm>>
    %dma_start3A_34 = tpu.memref_slice %arg7[%add3A_30] : memref<327680xi32, #tpu.memory_space<hbm>> -> memref<512xi32, #tpu.memory_space<hbm>>
    %dma_start3A_35 = arith.constant 1024 : i32
    %dma_start3A_36 = tpu.memref_slice %arg11[%dma_start3A_35] : memref<10240xi32, #tpu.memory_space<vmem>> -> memref<512xi32, #tpu.memory_space<vmem>>
    tpu.enqueue_dma source(%dma_start3A_36 : memref<512xi32, #tpu.memory_space<vmem>>) target(%dma_start3A_34 : memref<512xi32, #tpu.memory_space<hbm>>) target_semaphore(%arg19 : memref<!tpu.dma_semaphore, #tpu.memory_space<semaphore_mem>>)
    %mul3A_37 = arith.constant 512 : i32
    %mul3A_38 = arith.muli %add3A, %mul3A_37 : i32
    %add3A_39 = arith.constant 49152 : i32
    %add3A_40 = arith.addi %add3A_39, %mul3A_38 : i32
    %dma_start3A_41 = arith.constant 1536 : i32
    %dma_start3A_42 = tpu.memref_slice %arg11[%dma_start3A_41] : memref<10240xi32, #tpu.memory_space<vmem>> -> memref<512xi32, #tpu.memory_space<vmem>>
    %dma_start3A_43 = tpu.memref_slice %arg7[%add3A_40] : memref<327680xi32, #tpu.memory_space<hbm>> -> memref<512xi32, #tpu.memory_space<hbm>>
    %dma_start3A_44 = tpu.memref_slice %arg7[%add3A_40] : memref<327680xi32, #tpu.memory_space<hbm>> -> memref<512xi32, #tpu.memory_space<hbm>>
    %dma_start3A_45 = arith.constant 1536 : i32
    %dma_start3A_46 = tpu.memref_slice %arg11[%dma_start3A_45] : memref<10240xi32, #tpu.memory_space<vmem>> -> memref<512xi32, #tpu.memory_space<vmem>>
    tpu.enqueue_dma source(%dma_start3A_46 : memref<512xi32, #tpu.memory_space<vmem>>) target(%dma_start3A_44 : memref<512xi32, #tpu.memory_space<hbm>>) target_semaphore(%arg19 : memref<!tpu.dma_semaphore, #tpu.memory_space<semaphore_mem>>)
    %mul3A_47 = arith.constant 512 : i32
    %mul3A_48 = arith.muli %add3A, %mul3A_47 : i32
    %add3A_49 = arith.constant 65536 : i32
    %add3A_50 = arith.addi %add3A_49, %mul3A_48 : i32
    %dma_start3A_51 = arith.constant 2048 : i32
    %dma_start3A_52 = tpu.memref_slice %arg11[%dma_start3A_51] : memref<10240xi32, #tpu.memory_space<vmem>> -> memref<512xi32, #tpu.memory_space<vmem>>
    %dma_start3A_53 = tpu.memref_slice %arg7[%add3A_50] : memref<327680xi32, #tpu.memory_space<hbm>> -> memref<512xi32, #tpu.memory_space<hbm>>
    %dma_start3A_54 = tpu.memref_slice %arg7[%add3A_50] : memref<327680xi32, #tpu.memory_space<hbm>> -> memref<512xi32, #tpu.memory_space<hbm>>
    %dma_start3A_55 = arith.constant 2048 : i32
    %dma_start3A_56 = tpu.memref_slice %arg11[%dma_start3A_55] : memref<10240xi32, #tpu.memory_space<vmem>> -> memref<512xi32, #tpu.memory_space<vmem>>
    tpu.enqueue_dma source(%dma_start3A_56 : memref<512xi32, #tpu.memory_space<vmem>>) target(%dma_start3A_54 : memref<512xi32, #tpu.memory_space<hbm>>) target_semaphore(%arg19 : memref<!tpu.dma_semaphore, #tpu.memory_space<semaphore_mem>>)
    %mul3A_57 = arith.constant 512 : i32
    %mul3A_58 = arith.muli %add3A, %mul3A_57 : i32
    %add3A_59 = arith.constant 81920 : i32
    %add3A_60 = arith.addi %add3A_59, %mul3A_58 : i32
    %dma_start3A_61 = arith.constant 2560 : i32
    %dma_start3A_62 = tpu.memref_slice %arg11[%dma_start3A_61] : memref<10240xi32, #tpu.memory_space<vmem>> -> memref<512xi32, #tpu.memory_space<vmem>>
    %dma_start3A_63 = tpu.memref_slice %arg7[%add3A_60] : memref<327680xi32, #tpu.memory_space<hbm>> -> memref<512xi32, #tpu.memory_space<hbm>>
    %dma_start3A_64 = tpu.memref_slice %arg7[%add3A_60] : memref<327680xi32, #tpu.memory_space<hbm>> -> memref<512xi32, #tpu.memory_space<hbm>>
    %dma_start3A_65 = arith.constant 2560 : i32
    %dma_start3A_66 = tpu.memref_slice %arg11[%dma_start3A_65] : memref<10240xi32, #tpu.memory_space<vmem>> -> memref<512xi32, #tpu.memory_space<vmem>>
    tpu.enqueue_dma source(%dma_start3A_66 : memref<512xi32, #tpu.memory_space<vmem>>) target(%dma_start3A_64 : memref<512xi32, #tpu.memory_space<hbm>>) target_semaphore(%arg19 : memref<!tpu.dma_semaphore, #tpu.memory_space<semaphore_mem>>)
    %mul3A_67 = arith.constant 512 : i32
    %mul3A_68 = arith.muli %add3A, %mul3A_67 : i32
    %add3A_69 = arith.constant 98304 : i32
    %add3A_70 = arith.addi %add3A_69, %mul3A_68 : i32
    %dma_start3A_71 = arith.constant 3072 : i32
    %dma_start3A_72 = tpu.memref_slice %arg11[%dma_start3A_71] : memref<10240xi32, #tpu.memory_space<vmem>> -> memref<512xi32, #tpu.memory_space<vmem>>
    %dma_start3A_73 = tpu.memref_slice %arg7[%add3A_70] : memref<327680xi32, #tpu.memory_space<hbm>> -> memref<512xi32, #tpu.memory_space<hbm>>
    %dma_start3A_74 = tpu.memref_slice %arg7[%add3A_70] : memref<327680xi32, #tpu.memory_space<hbm>> -> memref<512xi32, #tpu.memory_space<hbm>>
    %dma_start3A_75 = arith.constant 3072 : i32
    %dma_start3A_76 = tpu.memref_slice %arg11[%dma_start3A_75] : memref<10240xi32, #tpu.memory_space<vmem>> -> memref<512xi32, #tpu.memory_space<vmem>>
    tpu.enqueue_dma source(%dma_start3A_76 : memref<512xi32, #tpu.memory_space<vmem>>) target(%dma_start3A_74 : memref<512xi32, #tpu.memory_space<hbm>>) target_semaphore(%arg19 : memref<!tpu.dma_semaphore, #tpu.memory_space<semaphore_mem>>)
    %mul3A_77 = arith.constant 512 : i32
    %mul3A_78 = arith.muli %add3A, %mul3A_77 : i32
    %add3A_79 = arith.constant 114688 : i32
    %add3A_80 = arith.addi %add3A_79, %mul3A_78 : i32
    %dma_start3A_81 = arith.constant 3584 : i32
    %dma_start3A_82 = tpu.memref_slice %arg11[%dma_start3A_81] : memref<10240xi32, #tpu.memory_space<vmem>> -> memref<512xi32, #tpu.memory_space<vmem>>
    %dma_start3A_83 = tpu.memref_slice %arg7[%add3A_80] : memref<327680xi32, #tpu.memory_space<hbm>> -> memref<512xi32, #tpu.memory_space<hbm>>
    %dma_start3A_84 = tpu.memref_slice %arg7[%add3A_80] : memref<327680xi32, #tpu.memory_space<hbm>> -> memref<512xi32, #tpu.memory_space<hbm>>
    %dma_start3A_85 = arith.constant 3584 : i32
    %dma_start3A_86 = tpu.memref_slice %arg11[%dma_start3A_85] : memref<10240xi32, #tpu.memory_space<vmem>> -> memref<512xi32, #tpu.memory_space<vmem>>
    tpu.enqueue_dma source(%dma_start3A_86 : memref<512xi32, #tpu.memory_space<vmem>>) target(%dma_start3A_84 : memref<512xi32, #tpu.memory_space<hbm>>) target_semaphore(%arg19 : memref<!tpu.dma_semaphore, #tpu.memory_space<semaphore_mem>>)
    %mul3A_87 = arith.constant 512 : i32
    %mul3A_88 = arith.muli %add3A, %mul3A_87 : i32
    %add3A_89 = arith.constant 131072 : i32
    %add3A_90 = arith.addi %add3A_89, %mul3A_88 : i32
    %dma_start3A_91 = arith.constant 4096 : i32
    %dma_start3A_92 = tpu.memref_slice %arg11[%dma_start3A_91] : memref<10240xi32, #tpu.memory_space<vmem>> -> memref<512xi32, #tpu.memory_space<vmem>>
    %dma_start3A_93 = tpu.memref_slice %arg7[%add3A_90] : memref<327680xi32, #tpu.memory_space<hbm>> -> memref<512xi32, #tpu.memory_space<hbm>>
    %dma_start3A_94 = tpu.memref_slice %arg7[%add3A_90] : memref<327680xi32, #tpu.memory_space<hbm>> -> memref<512xi32, #tpu.memory_space<hbm>>
    %dma_start3A_95 = arith.constant 4096 : i32
    %dma_start3A_96 = tpu.memref_slice %arg11[%dma_start3A_95] : memref<10240xi32, #tpu.memory_space<vmem>> -> memref<512xi32, #tpu.memory_space<vmem>>
    tpu.enqueue_dma source(%dma_start3A_96 : memref<512xi32, #tpu.memory_space<vmem>>) target(%dma_start3A_94 : memref<512xi32, #tpu.memory_space<hbm>>) target_semaphore(%arg19 : memref<!tpu.dma_semaphore, #tpu.memory_space<semaphore_mem>>)
    %mul3A_97 = arith.constant 512 : i32
    %mul3A_98 = arith.muli %add3A, %mul3A_97 : i32
    %add3A_99 = arith.constant 147456 : i32
    %add3A_100 = arith.addi %add3A_99, %mul3A_98 : i32
    %dma_start3A_101 = arith.constant 4608 : i32
    %dma_start3A_102 = tpu.memref_slice %arg11[%dma_start3A_101] : memref<10240xi32, #tpu.memory_space<vmem>> -> memref<512xi32, #tpu.memory_space<vmem>>
    %dma_start3A_103 = tpu.memref_slice %arg7[%add3A_100] : memref<327680xi32, #tpu.memory_space<hbm>> -> memref<512xi32, #tpu.memory_space<hbm>>
    %dma_start3A_104 = tpu.memref_slice %arg7[%add3A_100] : memref<327680xi32, #tpu.memory_space<hbm>> -> memref<512xi32, #tpu.memory_space<hbm>>
    %dma_start3A_105 = arith.constant 4608 : i32
    %dma_start3A_106 = tpu.memref_slice %arg11[%dma_start3A_105] : memref<10240xi32, #tpu.memory_space<vmem>> -> memref<512xi32, #tpu.memory_space<vmem>>
    tpu.enqueue_dma source(%dma_start3A_106 : memref<512xi32, #tpu.memory_space<vmem>>) target(%dma_start3A_104 : memref<512xi32, #tpu.memory_space<hbm>>) target_semaphore(%arg19 : memref<!tpu.dma_semaphore, #tpu.memory_space<semaphore_mem>>)
    %mul3A_107 = arith.constant 512 : i32
    %mul3A_108 = arith.muli %add3A, %mul3A_107 : i32
    %add3A_109 = arith.constant 163840 : i32
    %add3A_110 = arith.addi %add3A_109, %mul3A_108 : i32
    %dma_start3A_111 = arith.constant 5120 : i32
    %dma_start3A_112 = tpu.memref_slice %arg11[%dma_start3A_111] : memref<10240xi32, #tpu.memory_space<vmem>> -> memref<512xi32, #tpu.memory_space<vmem>>
    %dma_start3A_113 = tpu.memref_slice %arg7[%add3A_110] : memref<327680xi32, #tpu.memory_space<hbm>> -> memref<512xi32, #tpu.memory_space<hbm>>
    %dma_start3A_114 = tpu.memref_slice %arg7[%add3A_110] : memref<327680xi32, #tpu.memory_space<hbm>> -> memref<512xi32, #tpu.memory_space<hbm>>
    %dma_start3A_115 = arith.constant 5120 : i32
    %dma_start3A_116 = tpu.memref_slice %arg11[%dma_start3A_115] : memref<10240xi32, #tpu.memory_space<vmem>> -> memref<512xi32, #tpu.memory_space<vmem>>
    tpu.enqueue_dma source(%dma_start3A_116 : memref<512xi32, #tpu.memory_space<vmem>>) target(%dma_start3A_114 : memref<512xi32, #tpu.memory_space<hbm>>) target_semaphore(%arg19 : memref<!tpu.dma_semaphore, #tpu.memory_space<semaphore_mem>>)
    %mul3A_117 = arith.constant 512 : i32
    %mul3A_118 = arith.muli %add3A, %mul3A_117 : i32
    %add3A_119 = arith.constant 180224 : i32
    %add3A_120 = arith.addi %add3A_119, %mul3A_118 : i32
    %dma_start3A_121 = arith.constant 5632 : i32
    %dma_start3A_122 = tpu.memref_slice %arg11[%dma_start3A_121] : memref<10240xi32, #tpu.memory_space<vmem>> -> memref<512xi32, #tpu.memory_space<vmem>>
    %dma_start3A_123 = tpu.memref_slice %arg7[%add3A_120] : memref<327680xi32, #tpu.memory_space<hbm>> -> memref<512xi32, #tpu.memory_space<hbm>>
    %dma_start3A_124 = tpu.memref_slice %arg7[%add3A_120] : memref<327680xi32, #tpu.memory_space<hbm>> -> memref<512xi32, #tpu.memory_space<hbm>>
    %dma_start3A_125 = arith.constant 5632 : i32
    %dma_start3A_126 = tpu.memref_slice %arg11[%dma_start3A_125] : memref<10240xi32, #tpu.memory_space<vmem>> -> memref<512xi32, #tpu.memory_space<vmem>>
    tpu.enqueue_dma source(%dma_start3A_126 : memref<512xi32, #tpu.memory_space<vmem>>) target(%dma_start3A_124 : memref<512xi32, #tpu.memory_space<hbm>>) target_semaphore(%arg19 : memref<!tpu.dma_semaphore, #tpu.memory_space<semaphore_mem>>)
    %mul3A_127 = arith.constant 512 : i32
    %mul3A_128 = arith.muli %add3A, %mul3A_127 : i32
    %add3A_129 = arith.constant 196608 : i32
    %add3A_130 = arith.addi %add3A_129, %mul3A_128 : i32
    %dma_start3A_131 = arith.constant 6144 : i32
    %dma_start3A_132 = tpu.memref_slice %arg11[%dma_start3A_131] : memref<10240xi32, #tpu.memory_space<vmem>> -> memref<512xi32, #tpu.memory_space<vmem>>
    %dma_start3A_133 = tpu.memref_slice %arg7[%add3A_130] : memref<327680xi32, #tpu.memory_space<hbm>> -> memref<512xi32, #tpu.memory_space<hbm>>
    %dma_start3A_134 = tpu.memref_slice %arg7[%add3A_130] : memref<327680xi32, #tpu.memory_space<hbm>> -> memref<512xi32, #tpu.memory_space<hbm>>
    %dma_start3A_135 = arith.constant 6144 : i32
    %dma_start3A_136 = tpu.memref_slice %arg11[%dma_start3A_135] : memref<10240xi32, #tpu.memory_space<vmem>> -> memref<512xi32, #tpu.memory_space<vmem>>
    tpu.enqueue_dma source(%dma_start3A_136 : memref<512xi32, #tpu.memory_space<vmem>>) target(%dma_start3A_134 : memref<512xi32, #tpu.memory_space<hbm>>) target_semaphore(%arg19 : memref<!tpu.dma_semaphore, #tpu.memory_space<semaphore_mem>>)
    %mul3A_137 = arith.constant 512 : i32
    %mul3A_138 = arith.muli %add3A, %mul3A_137 : i32
    %add3A_139 = arith.constant 212992 : i32
    %add3A_140 = arith.addi %add3A_139, %mul3A_138 : i32
    %dma_start3A_141 = arith.constant 6656 : i32
    %dma_start3A_142 = tpu.memref_slice %arg11[%dma_start3A_141] : memref<10240xi32, #tpu.memory_space<vmem>> -> memref<512xi32, #tpu.memory_space<vmem>>
    %dma_start3A_143 = tpu.memref_slice %arg7[%add3A_140] : memref<327680xi32, #tpu.memory_space<hbm>> -> memref<512xi32, #tpu.memory_space<hbm>>
    %dma_start3A_144 = tpu.memref_slice %arg7[%add3A_140] : memref<327680xi32, #tpu.memory_space<hbm>> -> memref<512xi32, #tpu.memory_space<hbm>>
    %dma_start3A_145 = arith.constant 6656 : i32
    %dma_start3A_146 = tpu.memref_slice %arg11[%dma_start3A_145] : memref<10240xi32, #tpu.memory_space<vmem>> -> memref<512xi32, #tpu.memory_space<vmem>>
    tpu.enqueue_dma source(%dma_start3A_146 : memref<512xi32, #tpu.memory_space<vmem>>) target(%dma_start3A_144 : memref<512xi32, #tpu.memory_space<hbm>>) target_semaphore(%arg19 : memref<!tpu.dma_semaphore, #tpu.memory_space<semaphore_mem>>)
    %mul3A_147 = arith.constant 512 : i32
    %mul3A_148 = arith.muli %add3A, %mul3A_147 : i32
    %add3A_149 = arith.constant 229376 : i32
    %add3A_150 = arith.addi %add3A_149, %mul3A_148 : i32
    %dma_start3A_151 = arith.constant 7168 : i32
    %dma_start3A_152 = tpu.memref_slice %arg11[%dma_start3A_151] : memref<10240xi32, #tpu.memory_space<vmem>> -> memref<512xi32, #tpu.memory_space<vmem>>
    %dma_start3A_153 = tpu.memref_slice %arg7[%add3A_150] : memref<327680xi32, #tpu.memory_space<hbm>> -> memref<512xi32, #tpu.memory_space<hbm>>
    %dma_start3A_154 = tpu.memref_slice %arg7[%add3A_150] : memref<327680xi32, #tpu.memory_space<hbm>> -> memref<512xi32, #tpu.memory_space<hbm>>
    %dma_start3A_155 = arith.constant 7168 : i32
    %dma_start3A_156 = tpu.memref_slice %arg11[%dma_start3A_155] : memref<10240xi32, #tpu.memory_space<vmem>> -> memref<512xi32, #tpu.memory_space<vmem>>
    tpu.enqueue_dma source(%dma_start3A_156 : memref<512xi32, #tpu.memory_space<vmem>>) target(%dma_start3A_154 : memref<512xi32, #tpu.memory_space<hbm>>) target_semaphore(%arg19 : memref<!tpu.dma_semaphore, #tpu.memory_space<semaphore_mem>>)
    %mul3A_157 = arith.constant 512 : i32
    %mul3A_158 = arith.muli %add3A, %mul3A_157 : i32
    %add3A_159 = arith.constant 245760 : i32
    %add3A_160 = arith.addi %add3A_159, %mul3A_158 : i32
    %dma_start3A_161 = arith.constant 7680 : i32
    %dma_start3A_162 = tpu.memref_slice %arg11[%dma_start3A_161] : memref<10240xi32, #tpu.memory_space<vmem>> -> memref<512xi32, #tpu.memory_space<vmem>>
    %dma_start3A_163 = tpu.memref_slice %arg7[%add3A_160] : memref<327680xi32, #tpu.memory_space<hbm>> -> memref<512xi32, #tpu.memory_space<hbm>>
    %dma_start3A_164 = tpu.memref_slice %arg7[%add3A_160] : memref<327680xi32, #tpu.memory_space<hbm>> -> memref<512xi32, #tpu.memory_space<hbm>>
    %dma_start3A_165 = arith.constant 7680 : i32
    %dma_start3A_166 = tpu.memref_slice %arg11[%dma_start3A_165] : memref<10240xi32, #tpu.memory_space<vmem>> -> memref<512xi32, #tpu.memory_space<vmem>>
    tpu.enqueue_dma source(%dma_start3A_166 : memref<512xi32, #tpu.memory_space<vmem>>) target(%dma_start3A_164 : memref<512xi32, #tpu.memory_space<hbm>>) target_semaphore(%arg19 : memref<!tpu.dma_semaphore, #tpu.memory_space<semaphore_mem>>)
    %mul3A_167 = arith.constant 512 : i32
    %mul3A_168 = arith.muli %add3A, %mul3A_167 : i32
    %add3A_169 = arith.constant 262144 : i32
    %add3A_170 = arith.addi %add3A_169, %mul3A_168 : i32
    %dma_start3A_171 = arith.constant 8192 : i32
    %dma_start3A_172 = tpu.memref_slice %arg11[%dma_start3A_171] : memref<10240xi32, #tpu.memory_space<vmem>> -> memref<512xi32, #tpu.memory_space<vmem>>
    %dma_start3A_173 = tpu.memref_slice %arg7[%add3A_170] : memref<327680xi32, #tpu.memory_space<hbm>> -> memref<512xi32, #tpu.memory_space<hbm>>
    %dma_start3A_174 = tpu.memref_slice %arg7[%add3A_170] : memref<327680xi32, #tpu.memory_space<hbm>> -> memref<512xi32, #tpu.memory_space<hbm>>
    %dma_start3A_175 = arith.constant 8192 : i32
    %dma_start3A_176 = tpu.memref_slice %arg11[%dma_start3A_175] : memref<10240xi32, #tpu.memory_space<vmem>> -> memref<512xi32, #tpu.memory_space<vmem>>
    tpu.enqueue_dma source(%dma_start3A_176 : memref<512xi32, #tpu.memory_space<vmem>>) target(%dma_start3A_174 : memref<512xi32, #tpu.memory_space<hbm>>) target_semaphore(%arg19 : memref<!tpu.dma_semaphore, #tpu.memory_space<semaphore_mem>>)
    %mul3A_177 = arith.constant 512 : i32
    %mul3A_178 = arith.muli %add3A, %mul3A_177 : i32
    %add3A_179 = arith.constant 278528 : i32
    %add3A_180 = arith.addi %add3A_179, %mul3A_178 : i32
    %dma_start3A_181 = arith.constant 8704 : i32
    %dma_start3A_182 = tpu.memref_slice %arg11[%dma_start3A_181] : memref<10240xi32, #tpu.memory_space<vmem>> -> memref<512xi32, #tpu.memory_space<vmem>>
    %dma_start3A_183 = tpu.memref_slice %arg7[%add3A_180] : memref<327680xi32, #tpu.memory_space<hbm>> -> memref<512xi32, #tpu.memory_space<hbm>>
    %dma_start3A_184 = tpu.memref_slice %arg7[%add3A_180] : memref<327680xi32, #tpu.memory_space<hbm>> -> memref<512xi32, #tpu.memory_space<hbm>>
    %dma_start3A_185 = arith.constant 8704 : i32
    %dma_start3A_186 = tpu.memref_slice %arg11[%dma_start3A_185] : memref<10240xi32, #tpu.memory_space<vmem>> -> memref<512xi32, #tpu.memory_space<vmem>>
    tpu.enqueue_dma source(%dma_start3A_186 : memref<512xi32, #tpu.memory_space<vmem>>) target(%dma_start3A_184 : memref<512xi32, #tpu.memory_space<hbm>>) target_semaphore(%arg19 : memref<!tpu.dma_semaphore, #tpu.memory_space<semaphore_mem>>)
    %mul3A_187 = arith.constant 512 : i32
    %mul3A_188 = arith.muli %add3A, %mul3A_187 : i32
    %add3A_189 = arith.constant 294912 : i32
    %add3A_190 = arith.addi %add3A_189, %mul3A_188 : i32
    %dma_start3A_191 = arith.constant 9216 : i32
    %dma_start3A_192 = tpu.memref_slice %arg11[%dma_start3A_191] : memref<10240xi32, #tpu.memory_space<vmem>> -> memref<512xi32, #tpu.memory_space<vmem>>
    %dma_start3A_193 = tpu.memref_slice %arg7[%add3A_190] : memref<327680xi32, #tpu.memory_space<hbm>> -> memref<512xi32, #tpu.memory_space<hbm>>
    %dma_start3A_194 = tpu.memref_slice %arg7[%add3A_190] : memref<327680xi32, #tpu.memory_space<hbm>> -> memref<512xi32, #tpu.memory_space<hbm>>
    %dma_start3A_195 = arith.constant 9216 : i32
    %dma_start3A_196 = tpu.memref_slice %arg11[%dma_start3A_195] : memref<10240xi32, #tpu.memory_space<vmem>> -> memref<512xi32, #tpu.memory_space<vmem>>
    tpu.enqueue_dma source(%dma_start3A_196 : memref<512xi32, #tpu.memory_space<vmem>>) target(%dma_start3A_194 : memref<512xi32, #tpu.memory_space<hbm>>) target_semaphore(%arg19 : memref<!tpu.dma_semaphore, #tpu.memory_space<semaphore_mem>>)
    %mul3A_197 = arith.constant 512 : i32
    %mul3A_198 = arith.muli %add3A, %mul3A_197 : i32
    %add3A_199 = arith.constant 311296 : i32
    %add3A_200 = arith.addi %add3A_199, %mul3A_198 : i32
    %dma_start3A_201 = arith.constant 9728 : i32
    %dma_start3A_202 = tpu.memref_slice %arg11[%dma_start3A_201] : memref<10240xi32, #tpu.memory_space<vmem>> -> memref<512xi32, #tpu.memory_space<vmem>>
    %dma_start3A_203 = tpu.memref_slice %arg7[%add3A_200] : memref<327680xi32, #tpu.memory_space<hbm>> -> memref<512xi32, #tpu.memory_space<hbm>>
    %dma_start3A_204 = tpu.memref_slice %arg7[%add3A_200] : memref<327680xi32, #tpu.memory_space<hbm>> -> memref<512xi32, #tpu.memory_space<hbm>>
    %dma_start3A_205 = arith.constant 9728 : i32
    %dma_start3A_206 = tpu.memref_slice %arg11[%dma_start3A_205] : memref<10240xi32, #tpu.memory_space<vmem>> -> memref<512xi32, #tpu.memory_space<vmem>>
    tpu.enqueue_dma source(%dma_start3A_206 : memref<512xi32, #tpu.memory_space<vmem>>) target(%dma_start3A_204 : memref<512xi32, #tpu.memory_space<hbm>>) target_semaphore(%arg19 : memref<!tpu.dma_semaphore, #tpu.memory_space<semaphore_mem>>)
    %lt3A = arith.constant 31 : i32
    %lt3A_207 = arith.cmpi slt, %add3A, %lt3A : i32
    %convert_element_type3A = arith.extui %lt3A_207 : i1 to i32
    %cond3A = arith.constant 0 : i32
    %cond3A_208 = arith.cmpi ne, %convert_element_type3A, %cond3A : i32
    scf.if %cond3A_208 {
      %mul3A_342 = arith.constant 3200 : i32
      %mul3A_343 = arith.muli %add3A, %mul3A_342 : i32
      "tpu.region"() ({
        %run_scoped3A = tpu.sem_alloc : memref<!tpu.dma_semaphore, #tpu.memory_space<semaphore_mem>>
        %dma_start3A_356 = arith.constant 0 : i32
        %dma_start3A_357 = arith.constant 0 : i32
        %dma_start3A_358 = tpu.memref_slice %arg12[%dma_start3A_356, %dma_start3A_357] : memref<8x3200xf32, #tpu.memory_space<vmem>> -> memref<8x3200xf32, #tpu.memory_space<vmem>>
        %dma_start3A_359 = arith.constant 0 : i32
        %dma_start3A_360 = tpu.memref_slice %arg3[%dma_start3A_359, %mul3A_343] : memref<8x100001xf32, #tpu.memory_space<hbm>> -> memref<8x3200xf32, #tpu.memory_space<hbm>>
        %dma_start3A_361 = arith.constant 0 : i32
        %dma_start3A_362 = arith.constant 0 : i32
        %dma_start3A_363 = tpu.memref_slice %arg12[%dma_start3A_361, %dma_start3A_362] : memref<8x3200xf32, #tpu.memory_space<vmem>> -> memref<8x3200xf32, #tpu.memory_space<vmem>>
        %dma_start3A_364 = arith.constant 0 : i32
        %dma_start3A_365 = tpu.memref_slice %arg3[%dma_start3A_364, %mul3A_343] : memref<8x100001xf32, #tpu.memory_space<hbm>> -> memref<8x3200xf32, #tpu.memory_space<hbm>>
        tpu.enqueue_dma source(%dma_start3A_365 : memref<8x3200xf32, #tpu.memory_space<hbm>>) target(%dma_start3A_363 : memref<8x3200xf32, #tpu.memory_space<vmem>>) target_semaphore(%run_scoped3A : memref<!tpu.dma_semaphore, #tpu.memory_space<semaphore_mem>>)
        %dma_wait3A_366 = arith.constant 0 : i32
        %dma_wait3A_367 = arith.constant 0 : i32
        %dma_wait3A_368 = tpu.memref_slice %arg12[%dma_wait3A_366, %dma_wait3A_367] : memref<8x3200xf32, #tpu.memory_space<vmem>> -> memref<8x3200xf32, #tpu.memory_space<vmem>>
        %dma_wait3A_369 = arith.constant 0 : i32
        %dma_wait3A_370 = tpu.memref_slice %arg3[%dma_wait3A_369, %mul3A_343] : memref<8x100001xf32, #tpu.memory_space<hbm>> -> memref<8x3200xf32, #tpu.memory_space<hbm>>
        %dma_wait3A_371 = arith.constant 0 : i32
        %dma_wait3A_372 = arith.constant 0 : i32
        %dma_wait3A_373 = tpu.memref_slice %arg12[%dma_wait3A_371, %dma_wait3A_372] : memref<8x3200xf32, #tpu.memory_space<vmem>> -> memref<8x3200xf32, #tpu.memory_space<vmem>>
        %dma_wait3A_374 = arith.constant 0 : i32
        %dma_wait3A_375 = tpu.memref_slice %arg3[%dma_wait3A_374, %mul3A_343] : memref<8x100001xf32, #tpu.memory_space<hbm>> -> memref<8x3200xf32, #tpu.memory_space<hbm>>
        tpu.wait_dma2 semaphore(%run_scoped3A : memref<!tpu.dma_semaphore, #tpu.memory_space<semaphore_mem>>) src(%dma_wait3A_375 : memref<8x3200xf32, #tpu.memory_space<hbm>>) dst(%dma_wait3A_373 : memref<8x3200xf32, #tpu.memory_space<vmem>>)
        tpu.yield
      }) : () -> ()
      %and3A = arith.constant 7 : i32
      %and3A_344 = vector.broadcast %and3A : i32 to vector<16xi32>
      %and3A_345 = arith.andi %iota3A, %and3A_344 : vector<16xi32>
      %shift_right_arithmetic3A = arith.constant 3 : i32
      %shift_right_arithmetic3A_346 = vector.broadcast %shift_right_arithmetic3A : i32 to vector<16xi32>
      %shift_right_arithmetic3A_347 = arith.shrsi %iota3A, %shift_right_arithmetic3A_346 : vector<16xi32>
      %scan3A_348 = arith.constant 0 : i32
      %scan3A_349 = arith.constant 0 : i32
      %scan3A_350 = arith.constant 200 : i32
      %scan3A_351 = arith.addi %scan3A_349, %scan3A_350 : i32
      %scan3A_352 = arith.constant 1 : i32
      scf.for %scan3A_356 = %scan3A_349 to %scan3A_351 step %scan3A_352  : i32 {
        %mul3A_357 = arith.constant 16 : i32
        %mul3A_358 = arith.muli %scan3A_356, %mul3A_357 : i32
        %add3A_359 = arith.constant 0 : i32
        %add3A_360 = arith.addi %mul3A_358, %add3A_359 : i32
        %broadcast_in_dim3A = vector.broadcast %add3A_360 : i32 to vector<16xi32>
        %add3A_361 = arith.addi %broadcast_in_dim3A, %shift_right_arithmetic3A_347 : vector<16xi32>
        %gather3A = tpu.vector_load_idx %arg12[%and3A_345, %add3A_361] : memref<8x3200xf32, #tpu.memory_space<vmem>>[vector<16xi32>, vector<16xi32>], vector<16xf32>,
        %add3A_362 = arith.constant 0 : i32
        %add3A_363 = arith.addi %mul3A_358, %add3A_362 : i32
        %mul3A_364 = arith.constant 8 : i32
        %mul3A_365 = arith.muli %add3A_363, %mul3A_364 : i32
        %swap3A = arith.index_cast %mul3A_365 : i32 to index
        %swap3A_366 = tpu.vector_load %arg13[%swap3A] {strides = array<i32>} : memref<25600xf32, #tpu.memory_space<vmem>>, vector<16xf32>,
        tpu.vector_store %arg13[%swap3A], %gather3A {strides = array<i32>} : memref<25600xf32, #tpu.memory_space<vmem>>, vector<16xf32>,
        %add3A_367 = arith.constant 2 : i32
        %add3A_368 = arith.addi %mul3A_358, %add3A_367 : i32
        %broadcast_in_dim3A_369 = vector.broadcast %add3A_368 : i32 to vector<16xi32>
        %add3A_370 = arith.addi %broadcast_in_dim3A_369, %shift_right_arithmetic3A_347 : vector<16xi32>
        %gather3A_371 = tpu.vector_load_idx %arg12[%and3A_345, %add3A_370] : memref<8x3200xf32, #tpu.memory_space<vmem>>[vector<16xi32>, vector<16xi32>], vector<16xf32>,
        %add3A_372 = arith.constant 2 : i32
        %add3A_373 = arith.addi %mul3A_358, %add3A_372 : i32
        %mul3A_374 = arith.constant 8 : i32
        %mul3A_375 = arith.muli %add3A_373, %mul3A_374 : i32
        %swap3A_376 = arith.index_cast %mul3A_375 : i32 to index
        %swap3A_377 = tpu.vector_load %arg13[%swap3A_376] {strides = array<i32>} : memref<25600xf32, #tpu.memory_space<vmem>>, vector<16xf32>,
        tpu.vector_store %arg13[%swap3A_376], %gather3A_371 {strides = array<i32>} : memref<25600xf32, #tpu.memory_space<vmem>>, vector<16xf32>,
        %add3A_378 = arith.constant 4 : i32
        %add3A_379 = arith.addi %mul3A_358, %add3A_378 : i32
        %broadcast_in_dim3A_380 = vector.broadcast %add3A_379 : i32 to vector<16xi32>
        %add3A_381 = arith.addi %broadcast_in_dim3A_380, %shift_right_arithmetic3A_347 : vector<16xi32>
        %gather3A_382 = tpu.vector_load_idx %arg12[%and3A_345, %add3A_381] : memref<8x3200xf32, #tpu.memory_space<vmem>>[vector<16xi32>, vector<16xi32>], vector<16xf32>,
        %add3A_383 = arith.constant 4 : i32
        %add3A_384 = arith.addi %mul3A_358, %add3A_383 : i32
        %mul3A_385 = arith.constant 8 : i32
        %mul3A_386 = arith.muli %add3A_384, %mul3A_385 : i32
        %swap3A_387 = arith.index_cast %mul3A_386 : i32 to index
        %swap3A_388 = tpu.vector_load %arg13[%swap3A_387] {strides = array<i32>} : memref<25600xf32, #tpu.memory_space<vmem>>, vector<16xf32>,
        tpu.vector_store %arg13[%swap3A_387], %gather3A_382 {strides = array<i32>} : memref<25600xf32, #tpu.memory_space<vmem>>, vector<16xf32>,
        %add3A_389 = arith.constant 6 : i32
        %add3A_390 = arith.addi %mul3A_358, %add3A_389 : i32
        %broadcast_in_dim3A_391 = vector.broadcast %add3A_390 : i32 to vector<16xi32>
        %add3A_392 = arith.addi %broadcast_in_dim3A_391, %shift_right_arithmetic3A_347 : vector<16xi32>
        %gather3A_393 = tpu.vector_load_idx %arg12[%and3A_345, %add3A_392] : memref<8x3200xf32, #tpu.memory_space<vmem>>[vector<16xi32>, vector<16xi32>], vector<16xf32>,
        %add3A_394 = arith.constant 6 : i32
        %add3A_395 = arith.addi %mul3A_358, %add3A_394 : i32
        %mul3A_396 = arith.constant 8 : i32
        %mul3A_397 = arith.muli %add3A_395, %mul3A_396 : i32
        %swap3A_398 = arith.index_cast %mul3A_397 : i32 to index
        %swap3A_399 = tpu.vector_load %arg13[%swap3A_398] {strides = array<i32>} : memref<25600xf32, #tpu.memory_space<vmem>>, vector<16xf32>,
        tpu.vector_store %arg13[%swap3A_398], %gather3A_393 {strides = array<i32>} : memref<25600xf32, #tpu.memory_space<vmem>>, vector<16xf32>,
        %add3A_400 = arith.constant 8 : i32
        %add3A_401 = arith.addi %mul3A_358, %add3A_400 : i32
        %broadcast_in_dim3A_402 = vector.broadcast %add3A_401 : i32 to vector<16xi32>
        %add3A_403 = arith.addi %broadcast_in_dim3A_402, %shift_right_arithmetic3A_347 : vector<16xi32>
        %gather3A_404 = tpu.vector_load_idx %arg12[%and3A_345, %add3A_403] : memref<8x3200xf32, #tpu.memory_space<vmem>>[vector<16xi32>, vector<16xi32>], vector<16xf32>,
        %add3A_405 = arith.constant 8 : i32
        %add3A_406 = arith.addi %mul3A_358, %add3A_405 : i32
        %mul3A_407 = arith.constant 8 : i32
        %mul3A_408 = arith.muli %add3A_406, %mul3A_407 : i32
        %swap3A_409 = arith.index_cast %mul3A_408 : i32 to index
        %swap3A_410 = tpu.vector_load %arg13[%swap3A_409] {strides = array<i32>} : memref<25600xf32, #tpu.memory_space<vmem>>, vector<16xf32>,
        tpu.vector_store %arg13[%swap3A_409], %gather3A_404 {strides = array<i32>} : memref<25600xf32, #tpu.memory_space<vmem>>, vector<16xf32>,
        %add3A_411 = arith.constant 10 : i32
        %add3A_412 = arith.addi %mul3A_358, %add3A_411 : i32
        %broadcast_in_dim3A_413 = vector.broadcast %add3A_412 : i32 to vector<16xi32>
        %add3A_414 = arith.addi %broadcast_in_dim3A_413, %shift_right_arithmetic3A_347 : vector<16xi32>
        %gather3A_415 = tpu.vector_load_idx %arg12[%and3A_345, %add3A_414] : memref<8x3200xf32, #tpu.memory_space<vmem>>[vector<16xi32>, vector<16xi32>], vector<16xf32>,
        %add3A_416 = arith.constant 10 : i32
        %add3A_417 = arith.addi %mul3A_358, %add3A_416 : i32
        %mul3A_418 = arith.constant 8 : i32
        %mul3A_419 = arith.muli %add3A_417, %mul3A_418 : i32
        %swap3A_420 = arith.index_cast %mul3A_419 : i32 to index
        %swap3A_421 = tpu.vector_load %arg13[%swap3A_420] {strides = array<i32>} : memref<25600xf32, #tpu.memory_space<vmem>>, vector<16xf32>,
        tpu.vector_store %arg13[%swap3A_420], %gather3A_415 {strides = array<i32>} : memref<25600xf32, #tpu.memory_space<vmem>>, vector<16xf32>,
        %add3A_422 = arith.constant 12 : i32
        %add3A_423 = arith.addi %mul3A_358, %add3A_422 : i32
        %broadcast_in_dim3A_424 = vector.broadcast %add3A_423 : i32 to vector<16xi32>
        %add3A_425 = arith.addi %broadcast_in_dim3A_424, %shift_right_arithmetic3A_347 : vector<16xi32>
        %gather3A_426 = tpu.vector_load_idx %arg12[%and3A_345, %add3A_425] : memref<8x3200xf32, #tpu.memory_space<vmem>>[vector<16xi32>, vector<16xi32>], vector<16xf32>,
        %add3A_427 = arith.constant 12 : i32
        %add3A_428 = arith.addi %mul3A_358, %add3A_427 : i32
        %mul3A_429 = arith.constant 8 : i32
        %mul3A_430 = arith.muli %add3A_428, %mul3A_429 : i32
        %swap3A_431 = arith.index_cast %mul3A_430 : i32 to index
        %swap3A_432 = tpu.vector_load %arg13[%swap3A_431] {strides = array<i32>} : memref<25600xf32, #tpu.memory_space<vmem>>, vector<16xf32>,
        tpu.vector_store %arg13[%swap3A_431], %gather3A_426 {strides = array<i32>} : memref<25600xf32, #tpu.memory_space<vmem>>, vector<16xf32>,
        %add3A_433 = arith.constant 14 : i32
        %add3A_434 = arith.addi %mul3A_358, %add3A_433 : i32
        %broadcast_in_dim3A_435 = vector.broadcast %add3A_434 : i32 to vector<16xi32>
        %add3A_436 = arith.addi %broadcast_in_dim3A_435, %shift_right_arithmetic3A_347 : vector<16xi32>
        %gather3A_437 = tpu.vector_load_idx %arg12[%and3A_345, %add3A_436] : memref<8x3200xf32, #tpu.memory_space<vmem>>[vector<16xi32>, vector<16xi32>], vector<16xf32>,
        %add3A_438 = arith.constant 14 : i32
        %add3A_439 = arith.addi %mul3A_358, %add3A_438 : i32
        %mul3A_440 = arith.constant 8 : i32
        %mul3A_441 = arith.muli %add3A_439, %mul3A_440 : i32
        %swap3A_442 = arith.index_cast %mul3A_441 : i32 to index
        %swap3A_443 = tpu.vector_load %arg13[%swap3A_442] {strides = array<i32>} : memref<25600xf32, #tpu.memory_space<vmem>>, vector<16xf32>,
        tpu.vector_store %arg13[%swap3A_442], %gather3A_437 {strides = array<i32>} : memref<25600xf32, #tpu.memory_space<vmem>>, vector<16xf32>,
      }
      %scan3A_353 = arith.constant 200 : i32
      %mul3A_354 = arith.constant 8 : i32
      %mul3A_355 = arith.muli %mul3A_343, %mul3A_354 : i32
      "tpu.region"() ({
        %run_scoped3A = tpu.sem_alloc : memref<!tpu.dma_semaphore, #tpu.memory_space<semaphore_mem>>
        %dma_start3A_356 = arith.constant 0 : i32
        %dma_start3A_357 = tpu.memref_slice %arg13[%dma_start3A_356] : memref<25600xf32, #tpu.memory_space<vmem>> -> memref<25600xf32, #tpu.memory_space<vmem>>
        %dma_start3A_358 = tpu.memref_slice %arg8[%mul3A_355] : memref<800008xf32, #tpu.memory_space<hbm>> -> memref<25600xf32, #tpu.memory_space<hbm>>
        %dma_start3A_359 = tpu.memref_slice %arg8[%mul3A_355] : memref<800008xf32, #tpu.memory_space<hbm>> -> memref<25600xf32, #tpu.memory_space<hbm>>
        %dma_start3A_360 = arith.constant 0 : i32
        %dma_start3A_361 = tpu.memref_slice %arg13[%dma_start3A_360] : memref<25600xf32, #tpu.memory_space<vmem>> -> memref<25600xf32, #tpu.memory_space<vmem>>
        tpu.enqueue_dma source(%dma_start3A_361 : memref<25600xf32, #tpu.memory_space<vmem>>) target(%dma_start3A_359 : memref<25600xf32, #tpu.memory_space<hbm>>) target_semaphore(%run_scoped3A : memref<!tpu.dma_semaphore, #tpu.memory_space<semaphore_mem>>)
        %dma_wait3A_362 = arith.constant 0 : i32
        %dma_wait3A_363 = tpu.memref_slice %arg13[%dma_wait3A_362] : memref<25600xf32, #tpu.memory_space<vmem>> -> memref<25600xf32, #tpu.memory_space<vmem>>
        %dma_wait3A_364 = tpu.memref_slice %arg8[%mul3A_355] : memref<800008xf32, #tpu.memory_space<hbm>> -> memref<25600xf32, #tpu.memory_space<hbm>>
        %dma_wait3A_365 = tpu.memref_slice %arg8[%mul3A_355] : memref<800008xf32, #tpu.memory_space<hbm>> -> memref<25600xf32, #tpu.memory_space<hbm>>
        %dma_wait3A_366 = arith.constant 0 : i32
        %dma_wait3A_367 = tpu.memref_slice %arg13[%dma_wait3A_366] : memref<25600xf32, #tpu.memory_space<vmem>> -> memref<25600xf32, #tpu.memory_space<vmem>>
        tpu.wait_dma2 semaphore(%run_scoped3A : memref<!tpu.dma_semaphore, #tpu.memory_space<semaphore_mem>>) src(%dma_wait3A_367 : memref<25600xf32, #tpu.memory_space<vmem>>) dst(%dma_wait3A_365 : memref<25600xf32, #tpu.memory_space<hbm>>)
        tpu.yield
      }) : () -> ()
    } else {
    }
    %eq3A = arith.constant 31 : i32
    %eq3A_209 = arith.cmpi eq, %add3A, %eq3A : i32
    %convert_element_type3A_210 = arith.extui %eq3A_209 : i1 to i32
    %cond3A_211 = arith.constant 0 : i32
    %cond3A_212 = arith.cmpi ne, %convert_element_type3A_210, %cond3A_211 : i32
    scf.if %cond3A_212 {
      "tpu.region"() ({
        %run_scoped3A = tpu.sem_alloc : memref<!tpu.dma_semaphore, #tpu.memory_space<semaphore_mem>>
        %dma_start3A_352 = arith.constant 0 : i32
        %dma_start3A_353 = arith.constant 0 : i32
        %dma_start3A_354 = tpu.memref_slice %arg12[%dma_start3A_352, %dma_start3A_353] : memref<8x3200xf32, #tpu.memory_space<vmem>> -> memref<8x768xf32, #tpu.memory_space<vmem>>
        %dma_start3A_355 = arith.constant 0 : i32
        %dma_start3A_356 = arith.constant 99200 : i32
        %dma_start3A_357 = tpu.memref_slice %arg3[%dma_start3A_355, %dma_start3A_356] : memref<8x100001xf32, #tpu.memory_space<hbm>> -> memref<8x768xf32, #tpu.memory_space<hbm>>
        %dma_start3A_358 = arith.constant 0 : i32
        %dma_start3A_359 = arith.constant 0 : i32
        %dma_start3A_360 = tpu.memref_slice %arg12[%dma_start3A_358, %dma_start3A_359] : memref<8x3200xf32, #tpu.memory_space<vmem>> -> memref<8x768xf32, #tpu.memory_space<vmem>>
        %dma_start3A_361 = arith.constant 0 : i32
        %dma_start3A_362 = arith.constant 99200 : i32
        %dma_start3A_363 = tpu.memref_slice %arg3[%dma_start3A_361, %dma_start3A_362] : memref<8x100001xf32, #tpu.memory_space<hbm>> -> memref<8x768xf32, #tpu.memory_space<hbm>>
        tpu.enqueue_dma source(%dma_start3A_363 : memref<8x768xf32, #tpu.memory_space<hbm>>) target(%dma_start3A_360 : memref<8x768xf32, #tpu.memory_space<vmem>>) target_semaphore(%run_scoped3A : memref<!tpu.dma_semaphore, #tpu.memory_space<semaphore_mem>>)
        %dma_wait3A_364 = arith.constant 0 : i32
        %dma_wait3A_365 = arith.constant 0 : i32
        %dma_wait3A_366 = tpu.memref_slice %arg12[%dma_wait3A_364, %dma_wait3A_365] : memref<8x3200xf32, #tpu.memory_space<vmem>> -> memref<8x768xf32, #tpu.memory_space<vmem>>
        %dma_wait3A_367 = arith.constant 0 : i32
        %dma_wait3A_368 = arith.constant 99200 : i32
        %dma_wait3A_369 = tpu.memref_slice %arg3[%dma_wait3A_367, %dma_wait3A_368] : memref<8x100001xf32, #tpu.memory_space<hbm>> -> memref<8x768xf32, #tpu.memory_space<hbm>>
        %dma_wait3A_370 = arith.constant 0 : i32
        %dma_wait3A_371 = arith.constant 0 : i32
        %dma_wait3A_372 = tpu.memref_slice %arg12[%dma_wait3A_370, %dma_wait3A_371] : memref<8x3200xf32, #tpu.memory_space<vmem>> -> memref<8x768xf32, #tpu.memory_space<vmem>>
        %dma_wait3A_373 = arith.constant 0 : i32
        %dma_wait3A_374 = arith.constant 99200 : i32
        %dma_wait3A_375 = tpu.memref_slice %arg3[%dma_wait3A_373, %dma_wait3A_374] : memref<8x100001xf32, #tpu.memory_space<hbm>> -> memref<8x768xf32, #tpu.memory_space<hbm>>
        tpu.wait_dma2 semaphore(%run_scoped3A : memref<!tpu.dma_semaphore, #tpu.memory_space<semaphore_mem>>) src(%dma_wait3A_375 : memref<8x768xf32, #tpu.memory_space<hbm>>) dst(%dma_wait3A_372 : memref<8x768xf32, #tpu.memory_space<vmem>>)
        tpu.yield
      }) : () -> ()
      %and3A = arith.constant 7 : i32
      %and3A_342 = vector.broadcast %and3A : i32 to vector<16xi32>
      %and3A_343 = arith.andi %iota3A, %and3A_342 : vector<16xi32>
      %shift_right_arithmetic3A = arith.constant 3 : i32
      %shift_right_arithmetic3A_344 = vector.broadcast %shift_right_arithmetic3A : i32 to vector<16xi32>
      %shift_right_arithmetic3A_345 = arith.shrsi %iota3A, %shift_right_arithmetic3A_344 : vector<16xi32>
      %scan3A_346 = arith.constant 0 : i32
      %scan3A_347 = arith.constant 0 : i32
      %scan3A_348 = arith.constant 48 : i32
      %scan3A_349 = arith.addi %scan3A_347, %scan3A_348 : i32
      %scan3A_350 = arith.constant 1 : i32
      scf.for %scan3A_352 = %scan3A_347 to %scan3A_349 step %scan3A_350  : i32 {
        %mul3A_353 = arith.constant 16 : i32
        %mul3A_354 = arith.muli %scan3A_352, %mul3A_353 : i32
        %add3A_355 = arith.constant 0 : i32
        %add3A_356 = arith.addi %mul3A_354, %add3A_355 : i32
        %broadcast_in_dim3A = vector.broadcast %add3A_356 : i32 to vector<16xi32>
        %add3A_357 = arith.addi %broadcast_in_dim3A, %shift_right_arithmetic3A_345 : vector<16xi32>
        %gather3A = tpu.vector_load_idx %arg12[%and3A_343, %add3A_357] : memref<8x3200xf32, #tpu.memory_space<vmem>>[vector<16xi32>, vector<16xi32>], vector<16xf32>,
        %add3A_358 = arith.constant 0 : i32
        %add3A_359 = arith.addi %mul3A_354, %add3A_358 : i32
        %mul3A_360 = arith.constant 8 : i32
        %mul3A_361 = arith.muli %add3A_359, %mul3A_360 : i32
        %swap3A = arith.index_cast %mul3A_361 : i32 to index
        %swap3A_362 = tpu.vector_load %arg13[%swap3A] {strides = array<i32>} : memref<25600xf32, #tpu.memory_space<vmem>>, vector<16xf32>,
        tpu.vector_store %arg13[%swap3A], %gather3A {strides = array<i32>} : memref<25600xf32, #tpu.memory_space<vmem>>, vector<16xf32>,
        %add3A_363 = arith.constant 2 : i32
        %add3A_364 = arith.addi %mul3A_354, %add3A_363 : i32
        %broadcast_in_dim3A_365 = vector.broadcast %add3A_364 : i32 to vector<16xi32>
        %add3A_366 = arith.addi %broadcast_in_dim3A_365, %shift_right_arithmetic3A_345 : vector<16xi32>
        %gather3A_367 = tpu.vector_load_idx %arg12[%and3A_343, %add3A_366] : memref<8x3200xf32, #tpu.memory_space<vmem>>[vector<16xi32>, vector<16xi32>], vector<16xf32>,
        %add3A_368 = arith.constant 2 : i32
        %add3A_369 = arith.addi %mul3A_354, %add3A_368 : i32
        %mul3A_370 = arith.constant 8 : i32
        %mul3A_371 = arith.muli %add3A_369, %mul3A_370 : i32
        %swap3A_372 = arith.index_cast %mul3A_371 : i32 to index
        %swap3A_373 = tpu.vector_load %arg13[%swap3A_372] {strides = array<i32>} : memref<25600xf32, #tpu.memory_space<vmem>>, vector<16xf32>,
        tpu.vector_store %arg13[%swap3A_372], %gather3A_367 {strides = array<i32>} : memref<25600xf32, #tpu.memory_space<vmem>>, vector<16xf32>,
        %add3A_374 = arith.constant 4 : i32
        %add3A_375 = arith.addi %mul3A_354, %add3A_374 : i32
        %broadcast_in_dim3A_376 = vector.broadcast %add3A_375 : i32 to vector<16xi32>
        %add3A_377 = arith.addi %broadcast_in_dim3A_376, %shift_right_arithmetic3A_345 : vector<16xi32>
        %gather3A_378 = tpu.vector_load_idx %arg12[%and3A_343, %add3A_377] : memref<8x3200xf32, #tpu.memory_space<vmem>>[vector<16xi32>, vector<16xi32>], vector<16xf32>,
        %add3A_379 = arith.constant 4 : i32
        %add3A_380 = arith.addi %mul3A_354, %add3A_379 : i32
        %mul3A_381 = arith.constant 8 : i32
        %mul3A_382 = arith.muli %add3A_380, %mul3A_381 : i32
        %swap3A_383 = arith.index_cast %mul3A_382 : i32 to index
        %swap3A_384 = tpu.vector_load %arg13[%swap3A_383] {strides = array<i32>} : memref<25600xf32, #tpu.memory_space<vmem>>, vector<16xf32>,
        tpu.vector_store %arg13[%swap3A_383], %gather3A_378 {strides = array<i32>} : memref<25600xf32, #tpu.memory_space<vmem>>, vector<16xf32>,
        %add3A_385 = arith.constant 6 : i32
        %add3A_386 = arith.addi %mul3A_354, %add3A_385 : i32
        %broadcast_in_dim3A_387 = vector.broadcast %add3A_386 : i32 to vector<16xi32>
        %add3A_388 = arith.addi %broadcast_in_dim3A_387, %shift_right_arithmetic3A_345 : vector<16xi32>
        %gather3A_389 = tpu.vector_load_idx %arg12[%and3A_343, %add3A_388] : memref<8x3200xf32, #tpu.memory_space<vmem>>[vector<16xi32>, vector<16xi32>], vector<16xf32>,
        %add3A_390 = arith.constant 6 : i32
        %add3A_391 = arith.addi %mul3A_354, %add3A_390 : i32
        %mul3A_392 = arith.constant 8 : i32
        %mul3A_393 = arith.muli %add3A_391, %mul3A_392 : i32
        %swap3A_394 = arith.index_cast %mul3A_393 : i32 to index
        %swap3A_395 = tpu.vector_load %arg13[%swap3A_394] {strides = array<i32>} : memref<25600xf32, #tpu.memory_space<vmem>>, vector<16xf32>,
        tpu.vector_store %arg13[%swap3A_394], %gather3A_389 {strides = array<i32>} : memref<25600xf32, #tpu.memory_space<vmem>>, vector<16xf32>,
        %add3A_396 = arith.constant 8 : i32
        %add3A_397 = arith.addi %mul3A_354, %add3A_396 : i32
        %broadcast_in_dim3A_398 = vector.broadcast %add3A_397 : i32 to vector<16xi32>
        %add3A_399 = arith.addi %broadcast_in_dim3A_398, %shift_right_arithmetic3A_345 : vector<16xi32>
        %gather3A_400 = tpu.vector_load_idx %arg12[%and3A_343, %add3A_399] : memref<8x3200xf32, #tpu.memory_space<vmem>>[vector<16xi32>, vector<16xi32>], vector<16xf32>,
        %add3A_401 = arith.constant 8 : i32
        %add3A_402 = arith.addi %mul3A_354, %add3A_401 : i32
        %mul3A_403 = arith.constant 8 : i32
        %mul3A_404 = arith.muli %add3A_402, %mul3A_403 : i32
        %swap3A_405 = arith.index_cast %mul3A_404 : i32 to index
        %swap3A_406 = tpu.vector_load %arg13[%swap3A_405] {strides = array<i32>} : memref<25600xf32, #tpu.memory_space<vmem>>, vector<16xf32>,
        tpu.vector_store %arg13[%swap3A_405], %gather3A_400 {strides = array<i32>} : memref<25600xf32, #tpu.memory_space<vmem>>, vector<16xf32>,
        %add3A_407 = arith.constant 10 : i32
        %add3A_408 = arith.addi %mul3A_354, %add3A_407 : i32
        %broadcast_in_dim3A_409 = vector.broadcast %add3A_408 : i32 to vector<16xi32>
        %add3A_410 = arith.addi %broadcast_in_dim3A_409, %shift_right_arithmetic3A_345 : vector<16xi32>
        %gather3A_411 = tpu.vector_load_idx %arg12[%and3A_343, %add3A_410] : memref<8x3200xf32, #tpu.memory_space<vmem>>[vector<16xi32>, vector<16xi32>], vector<16xf32>,
        %add3A_412 = arith.constant 10 : i32
        %add3A_413 = arith.addi %mul3A_354, %add3A_412 : i32
        %mul3A_414 = arith.constant 8 : i32
        %mul3A_415 = arith.muli %add3A_413, %mul3A_414 : i32
        %swap3A_416 = arith.index_cast %mul3A_415 : i32 to index
        %swap3A_417 = tpu.vector_load %arg13[%swap3A_416] {strides = array<i32>} : memref<25600xf32, #tpu.memory_space<vmem>>, vector<16xf32>,
        tpu.vector_store %arg13[%swap3A_416], %gather3A_411 {strides = array<i32>} : memref<25600xf32, #tpu.memory_space<vmem>>, vector<16xf32>,
        %add3A_418 = arith.constant 12 : i32
        %add3A_419 = arith.addi %mul3A_354, %add3A_418 : i32
        %broadcast_in_dim3A_420 = vector.broadcast %add3A_419 : i32 to vector<16xi32>
        %add3A_421 = arith.addi %broadcast_in_dim3A_420, %shift_right_arithmetic3A_345 : vector<16xi32>
        %gather3A_422 = tpu.vector_load_idx %arg12[%and3A_343, %add3A_421] : memref<8x3200xf32, #tpu.memory_space<vmem>>[vector<16xi32>, vector<16xi32>], vector<16xf32>,
        %add3A_423 = arith.constant 12 : i32
        %add3A_424 = arith.addi %mul3A_354, %add3A_423 : i32
        %mul3A_425 = arith.constant 8 : i32
        %mul3A_426 = arith.muli %add3A_424, %mul3A_425 : i32
        %swap3A_427 = arith.index_cast %mul3A_426 : i32 to index
        %swap3A_428 = tpu.vector_load %arg13[%swap3A_427] {strides = array<i32>} : memref<25600xf32, #tpu.memory_space<vmem>>, vector<16xf32>,
        tpu.vector_store %arg13[%swap3A_427], %gather3A_422 {strides = array<i32>} : memref<25600xf32, #tpu.memory_space<vmem>>, vector<16xf32>,
        %add3A_429 = arith.constant 14 : i32
        %add3A_430 = arith.addi %mul3A_354, %add3A_429 : i32
        %broadcast_in_dim3A_431 = vector.broadcast %add3A_430 : i32 to vector<16xi32>
        %add3A_432 = arith.addi %broadcast_in_dim3A_431, %shift_right_arithmetic3A_345 : vector<16xi32>
        %gather3A_433 = tpu.vector_load_idx %arg12[%and3A_343, %add3A_432] : memref<8x3200xf32, #tpu.memory_space<vmem>>[vector<16xi32>, vector<16xi32>], vector<16xf32>,
        %add3A_434 = arith.constant 14 : i32
        %add3A_435 = arith.addi %mul3A_354, %add3A_434 : i32
        %mul3A_436 = arith.constant 8 : i32
        %mul3A_437 = arith.muli %add3A_435, %mul3A_436 : i32
        %swap3A_438 = arith.index_cast %mul3A_437 : i32 to index
        %swap3A_439 = tpu.vector_load %arg13[%swap3A_438] {strides = array<i32>} : memref<25600xf32, #tpu.memory_space<vmem>>, vector<16xf32>,
        tpu.vector_store %arg13[%swap3A_438], %gather3A_433 {strides = array<i32>} : memref<25600xf32, #tpu.memory_space<vmem>>, vector<16xf32>,
      }
      %scan3A_351 = arith.constant 48 : i32
      "tpu.region"() ({
        %run_scoped3A = tpu.sem_alloc : memref<!tpu.dma_semaphore, #tpu.memory_space<semaphore_mem>>
        %dma_start3A_352 = arith.constant 0 : i32
        %dma_start3A_353 = tpu.memref_slice %arg13[%dma_start3A_352] : memref<25600xf32, #tpu.memory_space<vmem>> -> memref<6144xf32, #tpu.memory_space<vmem>>
        %dma_start3A_354 = arith.constant 793600 : i32
        %dma_start3A_355 = tpu.memref_slice %arg8[%dma_start3A_354] : memref<800008xf32, #tpu.memory_space<hbm>> -> memref<6144xf32, #tpu.memory_space<hbm>>
        %dma_start3A_356 = arith.constant 793600 : i32
        %dma_start3A_357 = tpu.memref_slice %arg8[%dma_start3A_356] : memref<800008xf32, #tpu.memory_space<hbm>> -> memref<6144xf32, #tpu.memory_space<hbm>>
        %dma_start3A_358 = arith.constant 0 : i32
        %dma_start3A_359 = tpu.memref_slice %arg13[%dma_start3A_358] : memref<25600xf32, #tpu.memory_space<vmem>> -> memref<6144xf32, #tpu.memory_space<vmem>>
        tpu.enqueue_dma source(%dma_start3A_359 : memref<6144xf32, #tpu.memory_space<vmem>>) target(%dma_start3A_357 : memref<6144xf32, #tpu.memory_space<hbm>>) target_semaphore(%run_scoped3A : memref<!tpu.dma_semaphore, #tpu.memory_space<semaphore_mem>>)
        %dma_wait3A_360 = arith.constant 0 : i32
        %dma_wait3A_361 = tpu.memref_slice %arg13[%dma_wait3A_360] : memref<25600xf32, #tpu.memory_space<vmem>> -> memref<6144xf32, #tpu.memory_space<vmem>>
        %dma_wait3A_362 = arith.constant 793600 : i32
        %dma_wait3A_363 = tpu.memref_slice %arg8[%dma_wait3A_362] : memref<800008xf32, #tpu.memory_space<hbm>> -> memref<6144xf32, #tpu.memory_space<hbm>>
        %dma_wait3A_364 = arith.constant 793600 : i32
        %dma_wait3A_365 = tpu.memref_slice %arg8[%dma_wait3A_364] : memref<800008xf32, #tpu.memory_space<hbm>> -> memref<6144xf32, #tpu.memory_space<hbm>>
        %dma_wait3A_366 = arith.constant 0 : i32
        %dma_wait3A_367 = tpu.memref_slice %arg13[%dma_wait3A_366] : memref<25600xf32, #tpu.memory_space<vmem>> -> memref<6144xf32, #tpu.memory_space<vmem>>
        tpu.wait_dma2 semaphore(%run_scoped3A : memref<!tpu.dma_semaphore, #tpu.memory_space<semaphore_mem>>) src(%dma_wait3A_367 : memref<6144xf32, #tpu.memory_space<vmem>>) dst(%dma_wait3A_365 : memref<6144xf32, #tpu.memory_space<hbm>>)
        tpu.yield
      }) : () -> ()
      "tpu.region"() ({
        %run_scoped3A = tpu.sem_alloc : memref<!tpu.dma_semaphore, #tpu.memory_space<semaphore_mem>>
        tpu.enqueue_dma source(%arg5 : memref<264xf32, #tpu.memory_space<hbm>>) target(%arg16 : memref<264xf32, #tpu.memory_space<vmem>>) target_semaphore(%run_scoped3A : memref<!tpu.dma_semaphore, #tpu.memory_space<semaphore_mem>>)
        tpu.wait_dma2 semaphore(%run_scoped3A : memref<!tpu.dma_semaphore, #tpu.memory_space<semaphore_mem>>) src(%arg5 : memref<264xf32, #tpu.memory_space<hbm>>) dst(%arg16 : memref<264xf32, #tpu.memory_space<vmem>>)
        tpu.yield
      }) : () -> ()
      "tpu.region"() ({
        %run_scoped3A = tpu.sem_alloc : memref<!tpu.dma_semaphore, #tpu.memory_space<semaphore_mem>>
        %dma_start3A_352 = arith.constant 799744 : i32
        %dma_start3A_353 = tpu.memref_slice %arg8[%dma_start3A_352] : memref<800008xf32, #tpu.memory_space<hbm>> -> memref<264xf32, #tpu.memory_space<hbm>>
        %dma_start3A_354 = arith.constant 799744 : i32
        %dma_start3A_355 = tpu.memref_slice %arg8[%dma_start3A_354] : memref<800008xf32, #tpu.memory_space<hbm>> -> memref<264xf32, #tpu.memory_space<hbm>>
        tpu.enqueue_dma source(%arg16 : memref<264xf32, #tpu.memory_space<vmem>>) target(%dma_start3A_355 : memref<264xf32, #tpu.memory_space<hbm>>) target_semaphore(%run_scoped3A : memref<!tpu.dma_semaphore, #tpu.memory_space<semaphore_mem>>)
        %dma_wait3A_356 = arith.constant 799744 : i32
        %dma_wait3A_357 = tpu.memref_slice %arg8[%dma_wait3A_356] : memref<800008xf32, #tpu.memory_space<hbm>> -> memref<264xf32, #tpu.memory_space<hbm>>
        %dma_wait3A_358 = arith.constant 799744 : i32
        %dma_wait3A_359 = tpu.memref_slice %arg8[%dma_wait3A_358] : memref<800008xf32, #tpu.memory_space<hbm>> -> memref<264xf32, #tpu.memory_space<hbm>>
        tpu.wait_dma2 semaphore(%run_scoped3A : memref<!tpu.dma_semaphore, #tpu.memory_space<semaphore_mem>>) src(%arg16 : memref<264xf32, #tpu.memory_space<vmem>>) dst(%dma_wait3A_359 : memref<264xf32, #tpu.memory_space<hbm>>)
        tpu.yield
      }) : () -> ()
    } else {
    }
    %lt3A_213 = arith.constant 26 : i32
    %lt3A_214 = arith.cmpi slt, %add3A, %lt3A_213 : i32
    %convert_element_type3A_215 = arith.extui %lt3A_214 : i1 to i32
    %cond3A_216 = arith.constant 0 : i32
    %cond3A_217 = arith.cmpi ne, %convert_element_type3A_215, %cond3A_216 : i32
    scf.if %cond3A_217 {
      %mul3A_342 = arith.constant 384 : i32
      %mul3A_343 = arith.muli %add3A, %mul3A_342 : i32
      "tpu.region"() ({
        %run_scoped3A = tpu.sem_alloc : memref<!tpu.dma_semaphore, #tpu.memory_space<semaphore_mem>>
        %dma_start3A_352 = arith.constant 0 : i32
        %dma_start3A_353 = tpu.memref_slice %arg4[%dma_start3A_352, %mul3A_343] : memref<16x10000xf32, #tpu.memory_space<hbm>> -> memref<16x384xf32, #tpu.memory_space<hbm>>
        %dma_start3A_354 = arith.constant 0 : i32
        %dma_start3A_355 = tpu.memref_slice %arg4[%dma_start3A_354, %mul3A_343] : memref<16x10000xf32, #tpu.memory_space<hbm>> -> memref<16x384xf32, #tpu.memory_space<hbm>>
        tpu.enqueue_dma source(%dma_start3A_355 : memref<16x384xf32, #tpu.memory_space<hbm>>) target(%arg14 : memref<16x384xf32, #tpu.memory_space<vmem>>) target_semaphore(%run_scoped3A : memref<!tpu.dma_semaphore, #tpu.memory_space<semaphore_mem>>)
        %dma_wait3A_356 = arith.constant 0 : i32
        %dma_wait3A_357 = tpu.memref_slice %arg4[%dma_wait3A_356, %mul3A_343] : memref<16x10000xf32, #tpu.memory_space<hbm>> -> memref<16x384xf32, #tpu.memory_space<hbm>>
        %dma_wait3A_358 = arith.constant 0 : i32
        %dma_wait3A_359 = tpu.memref_slice %arg4[%dma_wait3A_358, %mul3A_343] : memref<16x10000xf32, #tpu.memory_space<hbm>> -> memref<16x384xf32, #tpu.memory_space<hbm>>
        tpu.wait_dma2 semaphore(%run_scoped3A : memref<!tpu.dma_semaphore, #tpu.memory_space<semaphore_mem>>) src(%dma_wait3A_359 : memref<16x384xf32, #tpu.memory_space<hbm>>) dst(%arg14 : memref<16x384xf32, #tpu.memory_space<vmem>>)
        tpu.yield
      }) : () -> ()
      %scan3A_344 = arith.constant 0 : i32
      %scan3A_345 = arith.constant 0 : i32
      %scan3A_346 = arith.constant 48 : i32
      %scan3A_347 = arith.addi %scan3A_345, %scan3A_346 : i32
      %scan3A_348 = arith.constant 1 : i32
      scf.for %scan3A_352 = %scan3A_345 to %scan3A_347 step %scan3A_348  : i32 {
        %mul3A_353 = arith.constant 8 : i32
        %mul3A_354 = arith.muli %scan3A_352, %mul3A_353 : i32
        %broadcast_in_dim3A = arith.constant 0 : i32
        %broadcast_in_dim3A_355 = vector.broadcast %broadcast_in_dim3A : i32 to vector<16xi32>
        %add3A_356 = vector.broadcast %mul3A_354 : i32 to vector<16xi32>
        %add3A_357 = arith.addi %broadcast_in_dim3A_355, %add3A_356 : vector<16xi32>
        %gather3A = tpu.vector_load_idx %arg14[%iota3A, %add3A_357] : memref<16x384xf32, #tpu.memory_space<vmem>>[vector<16xi32>, vector<16xi32>], vector<16xf32>,
        %add3A_358 = arith.constant 0 : i32
        %add3A_359 = arith.addi %mul3A_354, %add3A_358 : i32
        %mul3A_360 = arith.constant 16 : i32
        %mul3A_361 = arith.muli %add3A_359, %mul3A_360 : i32
        %swap3A = arith.index_cast %mul3A_361 : i32 to index
        %swap3A_362 = tpu.vector_load %arg15[%swap3A] {strides = array<i32>} : memref<6144xf32, #tpu.memory_space<vmem>>, vector<16xf32>,
        tpu.vector_store %arg15[%swap3A], %gather3A {strides = array<i32>} : memref<6144xf32, #tpu.memory_space<vmem>>, vector<16xf32>,
        %broadcast_in_dim3A_363 = arith.constant 1 : i32
        %broadcast_in_dim3A_364 = vector.broadcast %broadcast_in_dim3A_363 : i32 to vector<16xi32>
        %add3A_365 = vector.broadcast %mul3A_354 : i32 to vector<16xi32>
        %add3A_366 = arith.addi %broadcast_in_dim3A_364, %add3A_365 : vector<16xi32>
        %gather3A_367 = tpu.vector_load_idx %arg14[%iota3A, %add3A_366] : memref<16x384xf32, #tpu.memory_space<vmem>>[vector<16xi32>, vector<16xi32>], vector<16xf32>,
        %add3A_368 = arith.constant 1 : i32
        %add3A_369 = arith.addi %mul3A_354, %add3A_368 : i32
        %mul3A_370 = arith.constant 16 : i32
        %mul3A_371 = arith.muli %add3A_369, %mul3A_370 : i32
        %swap3A_372 = arith.index_cast %mul3A_371 : i32 to index
        %swap3A_373 = tpu.vector_load %arg15[%swap3A_372] {strides = array<i32>} : memref<6144xf32, #tpu.memory_space<vmem>>, vector<16xf32>,
        tpu.vector_store %arg15[%swap3A_372], %gather3A_367 {strides = array<i32>} : memref<6144xf32, #tpu.memory_space<vmem>>, vector<16xf32>,
        %broadcast_in_dim3A_374 = arith.constant 2 : i32
        %broadcast_in_dim3A_375 = vector.broadcast %broadcast_in_dim3A_374 : i32 to vector<16xi32>
        %add3A_376 = vector.broadcast %mul3A_354 : i32 to vector<16xi32>
        %add3A_377 = arith.addi %broadcast_in_dim3A_375, %add3A_376 : vector<16xi32>
        %gather3A_378 = tpu.vector_load_idx %arg14[%iota3A, %add3A_377] : memref<16x384xf32, #tpu.memory_space<vmem>>[vector<16xi32>, vector<16xi32>], vector<16xf32>,
        %add3A_379 = arith.constant 2 : i32
        %add3A_380 = arith.addi %mul3A_354, %add3A_379 : i32
        %mul3A_381 = arith.constant 16 : i32
        %mul3A_382 = arith.muli %add3A_380, %mul3A_381 : i32
        %swap3A_383 = arith.index_cast %mul3A_382 : i32 to index
        %swap3A_384 = tpu.vector_load %arg15[%swap3A_383] {strides = array<i32>} : memref<6144xf32, #tpu.memory_space<vmem>>, vector<16xf32>,
        tpu.vector_store %arg15[%swap3A_383], %gather3A_378 {strides = array<i32>} : memref<6144xf32, #tpu.memory_space<vmem>>, vector<16xf32>,
        %broadcast_in_dim3A_385 = arith.constant 3 : i32
        %broadcast_in_dim3A_386 = vector.broadcast %broadcast_in_dim3A_385 : i32 to vector<16xi32>
        %add3A_387 = vector.broadcast %mul3A_354 : i32 to vector<16xi32>
        %add3A_388 = arith.addi %broadcast_in_dim3A_386, %add3A_387 : vector<16xi32>
        %gather3A_389 = tpu.vector_load_idx %arg14[%iota3A, %add3A_388] : memref<16x384xf32, #tpu.memory_space<vmem>>[vector<16xi32>, vector<16xi32>], vector<16xf32>,
        %add3A_390 = arith.constant 3 : i32
        %add3A_391 = arith.addi %mul3A_354, %add3A_390 : i32
        %mul3A_392 = arith.constant 16 : i32
        %mul3A_393 = arith.muli %add3A_391, %mul3A_392 : i32
        %swap3A_394 = arith.index_cast %mul3A_393 : i32 to index
        %swap3A_395 = tpu.vector_load %arg15[%swap3A_394] {strides = array<i32>} : memref<6144xf32, #tpu.memory_space<vmem>>, vector<16xf32>,
        tpu.vector_store %arg15[%swap3A_394], %gather3A_389 {strides = array<i32>} : memref<6144xf32, #tpu.memory_space<vmem>>, vector<16xf32>,
        %broadcast_in_dim3A_396 = arith.constant 4 : i32
        %broadcast_in_dim3A_397 = vector.broadcast %broadcast_in_dim3A_396 : i32 to vector<16xi32>
        %add3A_398 = vector.broadcast %mul3A_354 : i32 to vector<16xi32>
        %add3A_399 = arith.addi %broadcast_in_dim3A_397, %add3A_398 : vector<16xi32>
        %gather3A_400 = tpu.vector_load_idx %arg14[%iota3A, %add3A_399] : memref<16x384xf32, #tpu.memory_space<vmem>>[vector<16xi32>, vector<16xi32>], vector<16xf32>,
        %add3A_401 = arith.constant 4 : i32
        %add3A_402 = arith.addi %mul3A_354, %add3A_401 : i32
        %mul3A_403 = arith.constant 16 : i32
        %mul3A_404 = arith.muli %add3A_402, %mul3A_403 : i32
        %swap3A_405 = arith.index_cast %mul3A_404 : i32 to index
        %swap3A_406 = tpu.vector_load %arg15[%swap3A_405] {strides = array<i32>} : memref<6144xf32, #tpu.memory_space<vmem>>, vector<16xf32>,
        tpu.vector_store %arg15[%swap3A_405], %gather3A_400 {strides = array<i32>} : memref<6144xf32, #tpu.memory_space<vmem>>, vector<16xf32>,
        %broadcast_in_dim3A_407 = arith.constant 5 : i32
        %broadcast_in_dim3A_408 = vector.broadcast %broadcast_in_dim3A_407 : i32 to vector<16xi32>
        %add3A_409 = vector.broadcast %mul3A_354 : i32 to vector<16xi32>
        %add3A_410 = arith.addi %broadcast_in_dim3A_408, %add3A_409 : vector<16xi32>
        %gather3A_411 = tpu.vector_load_idx %arg14[%iota3A, %add3A_410] : memref<16x384xf32, #tpu.memory_space<vmem>>[vector<16xi32>, vector<16xi32>], vector<16xf32>,
        %add3A_412 = arith.constant 5 : i32
        %add3A_413 = arith.addi %mul3A_354, %add3A_412 : i32
        %mul3A_414 = arith.constant 16 : i32
        %mul3A_415 = arith.muli %add3A_413, %mul3A_414 : i32
        %swap3A_416 = arith.index_cast %mul3A_415 : i32 to index
        %swap3A_417 = tpu.vector_load %arg15[%swap3A_416] {strides = array<i32>} : memref<6144xf32, #tpu.memory_space<vmem>>, vector<16xf32>,
        tpu.vector_store %arg15[%swap3A_416], %gather3A_411 {strides = array<i32>} : memref<6144xf32, #tpu.memory_space<vmem>>, vector<16xf32>,
        %broadcast_in_dim3A_418 = arith.constant 6 : i32
        %broadcast_in_dim3A_419 = vector.broadcast %broadcast_in_dim3A_418 : i32 to vector<16xi32>
        %add3A_420 = vector.broadcast %mul3A_354 : i32 to vector<16xi32>
        %add3A_421 = arith.addi %broadcast_in_dim3A_419, %add3A_420 : vector<16xi32>
        %gather3A_422 = tpu.vector_load_idx %arg14[%iota3A, %add3A_421] : memref<16x384xf32, #tpu.memory_space<vmem>>[vector<16xi32>, vector<16xi32>], vector<16xf32>,
        %add3A_423 = arith.constant 6 : i32
        %add3A_424 = arith.addi %mul3A_354, %add3A_423 : i32
        %mul3A_425 = arith.constant 16 : i32
        %mul3A_426 = arith.muli %add3A_424, %mul3A_425 : i32
        %swap3A_427 = arith.index_cast %mul3A_426 : i32 to index
        %swap3A_428 = tpu.vector_load %arg15[%swap3A_427] {strides = array<i32>} : memref<6144xf32, #tpu.memory_space<vmem>>, vector<16xf32>,
        tpu.vector_store %arg15[%swap3A_427], %gather3A_422 {strides = array<i32>} : memref<6144xf32, #tpu.memory_space<vmem>>, vector<16xf32>,
        %broadcast_in_dim3A_429 = arith.constant 7 : i32
        %broadcast_in_dim3A_430 = vector.broadcast %broadcast_in_dim3A_429 : i32 to vector<16xi32>
        %add3A_431 = vector.broadcast %mul3A_354 : i32 to vector<16xi32>
        %add3A_432 = arith.addi %broadcast_in_dim3A_430, %add3A_431 : vector<16xi32>
        %gather3A_433 = tpu.vector_load_idx %arg14[%iota3A, %add3A_432] : memref<16x384xf32, #tpu.memory_space<vmem>>[vector<16xi32>, vector<16xi32>], vector<16xf32>,
        %add3A_434 = arith.constant 7 : i32
        %add3A_435 = arith.addi %mul3A_354, %add3A_434 : i32
        %mul3A_436 = arith.constant 16 : i32
        %mul3A_437 = arith.muli %add3A_435, %mul3A_436 : i32
        %swap3A_438 = arith.index_cast %mul3A_437 : i32 to index
        %swap3A_439 = tpu.vector_load %arg15[%swap3A_438] {strides = array<i32>} : memref<6144xf32, #tpu.memory_space<vmem>>, vector<16xf32>,
        tpu.vector_store %arg15[%swap3A_438], %gather3A_433 {strides = array<i32>} : memref<6144xf32, #tpu.memory_space<vmem>>, vector<16xf32>,
      }
      %scan3A_349 = arith.constant 48 : i32
      %mul3A_350 = arith.constant 16 : i32
      %mul3A_351 = arith.muli %mul3A_343, %mul3A_350 : i32
      "tpu.region"() ({
        %run_scoped3A = tpu.sem_alloc : memref<!tpu.dma_semaphore, #tpu.memory_space<semaphore_mem>>
        %dma_start3A_352 = tpu.memref_slice %arg9[%mul3A_351] : memref<160000xf32, #tpu.memory_space<hbm>> -> memref<6144xf32, #tpu.memory_space<hbm>>
        %dma_start3A_353 = tpu.memref_slice %arg9[%mul3A_351] : memref<160000xf32, #tpu.memory_space<hbm>> -> memref<6144xf32, #tpu.memory_space<hbm>>
        tpu.enqueue_dma source(%arg15 : memref<6144xf32, #tpu.memory_space<vmem>>) target(%dma_start3A_353 : memref<6144xf32, #tpu.memory_space<hbm>>) target_semaphore(%run_scoped3A : memref<!tpu.dma_semaphore, #tpu.memory_space<semaphore_mem>>)
        %dma_wait3A_354 = tpu.memref_slice %arg9[%mul3A_351] : memref<160000xf32, #tpu.memory_space<hbm>> -> memref<6144xf32, #tpu.memory_space<hbm>>
        %dma_wait3A_355 = tpu.memref_slice %arg9[%mul3A_351] : memref<160000xf32, #tpu.memory_space<hbm>> -> memref<6144xf32, #tpu.memory_space<hbm>>
        tpu.wait_dma2 semaphore(%run_scoped3A : memref<!tpu.dma_semaphore, #tpu.memory_space<semaphore_mem>>) src(%arg15 : memref<6144xf32, #tpu.memory_space<vmem>>) dst(%dma_wait3A_355 : memref<6144xf32, #tpu.memory_space<hbm>>)
        tpu.yield
      }) : () -> ()
    } else {
    }
    %eq3A_218 = arith.constant 26 : i32
    %eq3A_219 = arith.cmpi eq, %add3A, %eq3A_218 : i32
    %convert_element_type3A_220 = arith.extui %eq3A_219 : i1 to i32
    %cond3A_221 = arith.constant 0 : i32
    %cond3A_222 = arith.cmpi ne, %convert_element_type3A_220, %cond3A_221 : i32
    scf.if %cond3A_222 {
      "tpu.region"() ({
        %run_scoped3A = tpu.sem_alloc : memref<!tpu.dma_semaphore, #tpu.memory_space<semaphore_mem>>
        tpu.enqueue_dma source(%arg6 : memref<256xf32, #tpu.memory_space<hbm>>) target(%arg17 : memref<256xf32, #tpu.memory_space<vmem>>) target_semaphore(%run_scoped3A : memref<!tpu.dma_semaphore, #tpu.memory_space<semaphore_mem>>)
        tpu.wait_dma2 semaphore(%run_scoped3A : memref<!tpu.dma_semaphore, #tpu.memory_space<semaphore_mem>>) src(%arg6 : memref<256xf32, #tpu.memory_space<hbm>>) dst(%arg17 : memref<256xf32, #tpu.memory_space<vmem>>)
        tpu.yield
      }) : () -> ()
      "tpu.region"() ({
        %run_scoped3A = tpu.sem_alloc : memref<!tpu.dma_semaphore, #tpu.memory_space<semaphore_mem>>
        %dma_start3A_342 = arith.constant 159744 : i32
        %dma_start3A_343 = tpu.memref_slice %arg9[%dma_start3A_342] : memref<160000xf32, #tpu.memory_space<hbm>> -> memref<256xf32, #tpu.memory_space<hbm>>
        %dma_start3A_344 = arith.constant 159744 : i32
        %dma_start3A_345 = tpu.memref_slice %arg9[%dma_start3A_344] : memref<160000xf32, #tpu.memory_space<hbm>> -> memref<256xf32, #tpu.memory_space<hbm>>
        tpu.enqueue_dma source(%arg17 : memref<256xf32, #tpu.memory_space<vmem>>) target(%dma_start3A_345 : memref<256xf32, #tpu.memory_space<hbm>>) target_semaphore(%run_scoped3A : memref<!tpu.dma_semaphore, #tpu.memory_space<semaphore_mem>>)
        %dma_wait3A_346 = arith.constant 159744 : i32
        %dma_wait3A_347 = tpu.memref_slice %arg9[%dma_wait3A_346] : memref<160000xf32, #tpu.memory_space<hbm>> -> memref<256xf32, #tpu.memory_space<hbm>>
        %dma_wait3A_348 = arith.constant 159744 : i32
        %dma_wait3A_349 = tpu.memref_slice %arg9[%dma_wait3A_348] : memref<160000xf32, #tpu.memory_space<hbm>> -> memref<256xf32, #tpu.memory_space<hbm>>
        tpu.wait_dma2 semaphore(%run_scoped3A : memref<!tpu.dma_semaphore, #tpu.memory_space<semaphore_mem>>) src(%arg17 : memref<256xf32, #tpu.memory_space<vmem>>) dst(%dma_wait3A_349 : memref<256xf32, #tpu.memory_space<hbm>>)
        tpu.yield
      }) : () -> ()
    } else {
    }
    %dma_wait3A = arith.constant 0 : i32
    %dma_wait3A_223 = tpu.memref_slice %arg11[%dma_wait3A] : memref<10240xi32, #tpu.memory_space<vmem>> -> memref<512xi32, #tpu.memory_space<vmem>>
    %dma_wait3A_224 = tpu.memref_slice %arg7[%add3A_11] : memref<327680xi32, #tpu.memory_space<hbm>> -> memref<512xi32, #tpu.memory_space<hbm>>
    %dma_wait3A_225 = tpu.memref_slice %arg7[%add3A_11] : memref<327680xi32, #tpu.memory_space<hbm>> -> memref<512xi32, #tpu.memory_space<hbm>>
    %dma_wait3A_226 = arith.constant 0 : i32
    %dma_wait3A_227 = tpu.memref_slice %arg11[%dma_wait3A_226] : memref<10240xi32, #tpu.memory_space<vmem>> -> memref<512xi32, #tpu.memory_space<vmem>>
    tpu.wait_dma2 semaphore(%arg19 : memref<!tpu.dma_semaphore, #tpu.memory_space<semaphore_mem>>) src(%dma_wait3A_227 : memref<512xi32, #tpu.memory_space<vmem>>) dst(%dma_wait3A_225 : memref<512xi32, #tpu.memory_space<hbm>>)
    %dma_wait3A_228 = arith.constant 512 : i32
    %dma_wait3A_229 = tpu.memref_slice %arg11[%dma_wait3A_228] : memref<10240xi32, #tpu.memory_space<vmem>> -> memref<512xi32, #tpu.memory_space<vmem>>
    %dma_wait3A_230 = tpu.memref_slice %arg7[%add3A_20] : memref<327680xi32, #tpu.memory_space<hbm>> -> memref<512xi32, #tpu.memory_space<hbm>>
    %dma_wait3A_231 = tpu.memref_slice %arg7[%add3A_20] : memref<327680xi32, #tpu.memory_space<hbm>> -> memref<512xi32, #tpu.memory_space<hbm>>
    %dma_wait3A_232 = arith.constant 512 : i32
    %dma_wait3A_233 = tpu.memref_slice %arg11[%dma_wait3A_232] : memref<10240xi32, #tpu.memory_space<vmem>> -> memref<512xi32, #tpu.memory_space<vmem>>
    tpu.wait_dma2 semaphore(%arg19 : memref<!tpu.dma_semaphore, #tpu.memory_space<semaphore_mem>>) src(%dma_wait3A_233 : memref<512xi32, #tpu.memory_space<vmem>>) dst(%dma_wait3A_231 : memref<512xi32, #tpu.memory_space<hbm>>)
    %dma_wait3A_234 = arith.constant 1024 : i32
    %dma_wait3A_235 = tpu.memref_slice %arg11[%dma_wait3A_234] : memref<10240xi32, #tpu.memory_space<vmem>> -> memref<512xi32, #tpu.memory_space<vmem>>
    %dma_wait3A_236 = tpu.memref_slice %arg7[%add3A_30] : memref<327680xi32, #tpu.memory_space<hbm>> -> memref<512xi32, #tpu.memory_space<hbm>>
    %dma_wait3A_237 = tpu.memref_slice %arg7[%add3A_30] : memref<327680xi32, #tpu.memory_space<hbm>> -> memref<512xi32, #tpu.memory_space<hbm>>
    %dma_wait3A_238 = arith.constant 1024 : i32
    %dma_wait3A_239 = tpu.memref_slice %arg11[%dma_wait3A_238] : memref<10240xi32, #tpu.memory_space<vmem>> -> memref<512xi32, #tpu.memory_space<vmem>>
    tpu.wait_dma2 semaphore(%arg19 : memref<!tpu.dma_semaphore, #tpu.memory_space<semaphore_mem>>) src(%dma_wait3A_239 : memref<512xi32, #tpu.memory_space<vmem>>) dst(%dma_wait3A_237 : memref<512xi32, #tpu.memory_space<hbm>>)
    %dma_wait3A_240 = arith.constant 1536 : i32
    %dma_wait3A_241 = tpu.memref_slice %arg11[%dma_wait3A_240] : memref<10240xi32, #tpu.memory_space<vmem>> -> memref<512xi32, #tpu.memory_space<vmem>>
    %dma_wait3A_242 = tpu.memref_slice %arg7[%add3A_40] : memref<327680xi32, #tpu.memory_space<hbm>> -> memref<512xi32, #tpu.memory_space<hbm>>
    %dma_wait3A_243 = tpu.memref_slice %arg7[%add3A_40] : memref<327680xi32, #tpu.memory_space<hbm>> -> memref<512xi32, #tpu.memory_space<hbm>>
    %dma_wait3A_244 = arith.constant 1536 : i32
    %dma_wait3A_245 = tpu.memref_slice %arg11[%dma_wait3A_244] : memref<10240xi32, #tpu.memory_space<vmem>> -> memref<512xi32, #tpu.memory_space<vmem>>
    tpu.wait_dma2 semaphore(%arg19 : memref<!tpu.dma_semaphore, #tpu.memory_space<semaphore_mem>>) src(%dma_wait3A_245 : memref<512xi32, #tpu.memory_space<vmem>>) dst(%dma_wait3A_243 : memref<512xi32, #tpu.memory_space<hbm>>)
    %dma_wait3A_246 = arith.constant 2048 : i32
    %dma_wait3A_247 = tpu.memref_slice %arg11[%dma_wait3A_246] : memref<10240xi32, #tpu.memory_space<vmem>> -> memref<512xi32, #tpu.memory_space<vmem>>
    %dma_wait3A_248 = tpu.memref_slice %arg7[%add3A_50] : memref<327680xi32, #tpu.memory_space<hbm>> -> memref<512xi32, #tpu.memory_space<hbm>>
    %dma_wait3A_249 = tpu.memref_slice %arg7[%add3A_50] : memref<327680xi32, #tpu.memory_space<hbm>> -> memref<512xi32, #tpu.memory_space<hbm>>
    %dma_wait3A_250 = arith.constant 2048 : i32
    %dma_wait3A_251 = tpu.memref_slice %arg11[%dma_wait3A_250] : memref<10240xi32, #tpu.memory_space<vmem>> -> memref<512xi32, #tpu.memory_space<vmem>>
    tpu.wait_dma2 semaphore(%arg19 : memref<!tpu.dma_semaphore, #tpu.memory_space<semaphore_mem>>) src(%dma_wait3A_251 : memref<512xi32, #tpu.memory_space<vmem>>) dst(%dma_wait3A_249 : memref<512xi32, #tpu.memory_space<hbm>>)
    %dma_wait3A_252 = arith.constant 2560 : i32
    %dma_wait3A_253 = tpu.memref_slice %arg11[%dma_wait3A_252] : memref<10240xi32, #tpu.memory_space<vmem>> -> memref<512xi32, #tpu.memory_space<vmem>>
    %dma_wait3A_254 = tpu.memref_slice %arg7[%add3A_60] : memref<327680xi32, #tpu.memory_space<hbm>> -> memref<512xi32, #tpu.memory_space<hbm>>
    %dma_wait3A_255 = tpu.memref_slice %arg7[%add3A_60] : memref<327680xi32, #tpu.memory_space<hbm>> -> memref<512xi32, #tpu.memory_space<hbm>>
    %dma_wait3A_256 = arith.constant 2560 : i32
    %dma_wait3A_257 = tpu.memref_slice %arg11[%dma_wait3A_256] : memref<10240xi32, #tpu.memory_space<vmem>> -> memref<512xi32, #tpu.memory_space<vmem>>
    tpu.wait_dma2 semaphore(%arg19 : memref<!tpu.dma_semaphore, #tpu.memory_space<semaphore_mem>>) src(%dma_wait3A_257 : memref<512xi32, #tpu.memory_space<vmem>>) dst(%dma_wait3A_255 : memref<512xi32, #tpu.memory_space<hbm>>)
    %dma_wait3A_258 = arith.constant 3072 : i32
    %dma_wait3A_259 = tpu.memref_slice %arg11[%dma_wait3A_258] : memref<10240xi32, #tpu.memory_space<vmem>> -> memref<512xi32, #tpu.memory_space<vmem>>
    %dma_wait3A_260 = tpu.memref_slice %arg7[%add3A_70] : memref<327680xi32, #tpu.memory_space<hbm>> -> memref<512xi32, #tpu.memory_space<hbm>>
    %dma_wait3A_261 = tpu.memref_slice %arg7[%add3A_70] : memref<327680xi32, #tpu.memory_space<hbm>> -> memref<512xi32, #tpu.memory_space<hbm>>
    %dma_wait3A_262 = arith.constant 3072 : i32
    %dma_wait3A_263 = tpu.memref_slice %arg11[%dma_wait3A_262] : memref<10240xi32, #tpu.memory_space<vmem>> -> memref<512xi32, #tpu.memory_space<vmem>>
    tpu.wait_dma2 semaphore(%arg19 : memref<!tpu.dma_semaphore, #tpu.memory_space<semaphore_mem>>) src(%dma_wait3A_263 : memref<512xi32, #tpu.memory_space<vmem>>) dst(%dma_wait3A_261 : memref<512xi32, #tpu.memory_space<hbm>>)
    %dma_wait3A_264 = arith.constant 3584 : i32
    %dma_wait3A_265 = tpu.memref_slice %arg11[%dma_wait3A_264] : memref<10240xi32, #tpu.memory_space<vmem>> -> memref<512xi32, #tpu.memory_space<vmem>>
    %dma_wait3A_266 = tpu.memref_slice %arg7[%add3A_80] : memref<327680xi32, #tpu.memory_space<hbm>> -> memref<512xi32, #tpu.memory_space<hbm>>
    %dma_wait3A_267 = tpu.memref_slice %arg7[%add3A_80] : memref<327680xi32, #tpu.memory_space<hbm>> -> memref<512xi32, #tpu.memory_space<hbm>>
    %dma_wait3A_268 = arith.constant 3584 : i32
    %dma_wait3A_269 = tpu.memref_slice %arg11[%dma_wait3A_268] : memref<10240xi32, #tpu.memory_space<vmem>> -> memref<512xi32, #tpu.memory_space<vmem>>
    tpu.wait_dma2 semaphore(%arg19 : memref<!tpu.dma_semaphore, #tpu.memory_space<semaphore_mem>>) src(%dma_wait3A_269 : memref<512xi32, #tpu.memory_space<vmem>>) dst(%dma_wait3A_267 : memref<512xi32, #tpu.memory_space<hbm>>)
    %dma_wait3A_270 = arith.constant 4096 : i32
    %dma_wait3A_271 = tpu.memref_slice %arg11[%dma_wait3A_270] : memref<10240xi32, #tpu.memory_space<vmem>> -> memref<512xi32, #tpu.memory_space<vmem>>
    %dma_wait3A_272 = tpu.memref_slice %arg7[%add3A_90] : memref<327680xi32, #tpu.memory_space<hbm>> -> memref<512xi32, #tpu.memory_space<hbm>>
    %dma_wait3A_273 = tpu.memref_slice %arg7[%add3A_90] : memref<327680xi32, #tpu.memory_space<hbm>> -> memref<512xi32, #tpu.memory_space<hbm>>
    %dma_wait3A_274 = arith.constant 4096 : i32
    %dma_wait3A_275 = tpu.memref_slice %arg11[%dma_wait3A_274] : memref<10240xi32, #tpu.memory_space<vmem>> -> memref<512xi32, #tpu.memory_space<vmem>>
    tpu.wait_dma2 semaphore(%arg19 : memref<!tpu.dma_semaphore, #tpu.memory_space<semaphore_mem>>) src(%dma_wait3A_275 : memref<512xi32, #tpu.memory_space<vmem>>) dst(%dma_wait3A_273 : memref<512xi32, #tpu.memory_space<hbm>>)
    %dma_wait3A_276 = arith.constant 4608 : i32
    %dma_wait3A_277 = tpu.memref_slice %arg11[%dma_wait3A_276] : memref<10240xi32, #tpu.memory_space<vmem>> -> memref<512xi32, #tpu.memory_space<vmem>>
    %dma_wait3A_278 = tpu.memref_slice %arg7[%add3A_100] : memref<327680xi32, #tpu.memory_space<hbm>> -> memref<512xi32, #tpu.memory_space<hbm>>
    %dma_wait3A_279 = tpu.memref_slice %arg7[%add3A_100] : memref<327680xi32, #tpu.memory_space<hbm>> -> memref<512xi32, #tpu.memory_space<hbm>>
    %dma_wait3A_280 = arith.constant 4608 : i32
    %dma_wait3A_281 = tpu.memref_slice %arg11[%dma_wait3A_280] : memref<10240xi32, #tpu.memory_space<vmem>> -> memref<512xi32, #tpu.memory_space<vmem>>
    tpu.wait_dma2 semaphore(%arg19 : memref<!tpu.dma_semaphore, #tpu.memory_space<semaphore_mem>>) src(%dma_wait3A_281 : memref<512xi32, #tpu.memory_space<vmem>>) dst(%dma_wait3A_279 : memref<512xi32, #tpu.memory_space<hbm>>)
    %dma_wait3A_282 = arith.constant 5120 : i32
    %dma_wait3A_283 = tpu.memref_slice %arg11[%dma_wait3A_282] : memref<10240xi32, #tpu.memory_space<vmem>> -> memref<512xi32, #tpu.memory_space<vmem>>
    %dma_wait3A_284 = tpu.memref_slice %arg7[%add3A_110] : memref<327680xi32, #tpu.memory_space<hbm>> -> memref<512xi32, #tpu.memory_space<hbm>>
    %dma_wait3A_285 = tpu.memref_slice %arg7[%add3A_110] : memref<327680xi32, #tpu.memory_space<hbm>> -> memref<512xi32, #tpu.memory_space<hbm>>
    %dma_wait3A_286 = arith.constant 5120 : i32
    %dma_wait3A_287 = tpu.memref_slice %arg11[%dma_wait3A_286] : memref<10240xi32, #tpu.memory_space<vmem>> -> memref<512xi32, #tpu.memory_space<vmem>>
    tpu.wait_dma2 semaphore(%arg19 : memref<!tpu.dma_semaphore, #tpu.memory_space<semaphore_mem>>) src(%dma_wait3A_287 : memref<512xi32, #tpu.memory_space<vmem>>) dst(%dma_wait3A_285 : memref<512xi32, #tpu.memory_space<hbm>>)
    %dma_wait3A_288 = arith.constant 5632 : i32
    %dma_wait3A_289 = tpu.memref_slice %arg11[%dma_wait3A_288] : memref<10240xi32, #tpu.memory_space<vmem>> -> memref<512xi32, #tpu.memory_space<vmem>>
    %dma_wait3A_290 = tpu.memref_slice %arg7[%add3A_120] : memref<327680xi32, #tpu.memory_space<hbm>> -> memref<512xi32, #tpu.memory_space<hbm>>
    %dma_wait3A_291 = tpu.memref_slice %arg7[%add3A_120] : memref<327680xi32, #tpu.memory_space<hbm>> -> memref<512xi32, #tpu.memory_space<hbm>>
    %dma_wait3A_292 = arith.constant 5632 : i32
    %dma_wait3A_293 = tpu.memref_slice %arg11[%dma_wait3A_292] : memref<10240xi32, #tpu.memory_space<vmem>> -> memref<512xi32, #tpu.memory_space<vmem>>
    tpu.wait_dma2 semaphore(%arg19 : memref<!tpu.dma_semaphore, #tpu.memory_space<semaphore_mem>>) src(%dma_wait3A_293 : memref<512xi32, #tpu.memory_space<vmem>>) dst(%dma_wait3A_291 : memref<512xi32, #tpu.memory_space<hbm>>)
    %dma_wait3A_294 = arith.constant 6144 : i32
    %dma_wait3A_295 = tpu.memref_slice %arg11[%dma_wait3A_294] : memref<10240xi32, #tpu.memory_space<vmem>> -> memref<512xi32, #tpu.memory_space<vmem>>
    %dma_wait3A_296 = tpu.memref_slice %arg7[%add3A_130] : memref<327680xi32, #tpu.memory_space<hbm>> -> memref<512xi32, #tpu.memory_space<hbm>>
    %dma_wait3A_297 = tpu.memref_slice %arg7[%add3A_130] : memref<327680xi32, #tpu.memory_space<hbm>> -> memref<512xi32, #tpu.memory_space<hbm>>
    %dma_wait3A_298 = arith.constant 6144 : i32
    %dma_wait3A_299 = tpu.memref_slice %arg11[%dma_wait3A_298] : memref<10240xi32, #tpu.memory_space<vmem>> -> memref<512xi32, #tpu.memory_space<vmem>>
    tpu.wait_dma2 semaphore(%arg19 : memref<!tpu.dma_semaphore, #tpu.memory_space<semaphore_mem>>) src(%dma_wait3A_299 : memref<512xi32, #tpu.memory_space<vmem>>) dst(%dma_wait3A_297 : memref<512xi32, #tpu.memory_space<hbm>>)
    %dma_wait3A_300 = arith.constant 6656 : i32
    %dma_wait3A_301 = tpu.memref_slice %arg11[%dma_wait3A_300] : memref<10240xi32, #tpu.memory_space<vmem>> -> memref<512xi32, #tpu.memory_space<vmem>>
    %dma_wait3A_302 = tpu.memref_slice %arg7[%add3A_140] : memref<327680xi32, #tpu.memory_space<hbm>> -> memref<512xi32, #tpu.memory_space<hbm>>
    %dma_wait3A_303 = tpu.memref_slice %arg7[%add3A_140] : memref<327680xi32, #tpu.memory_space<hbm>> -> memref<512xi32, #tpu.memory_space<hbm>>
    %dma_wait3A_304 = arith.constant 6656 : i32
    %dma_wait3A_305 = tpu.memref_slice %arg11[%dma_wait3A_304] : memref<10240xi32, #tpu.memory_space<vmem>> -> memref<512xi32, #tpu.memory_space<vmem>>
    tpu.wait_dma2 semaphore(%arg19 : memref<!tpu.dma_semaphore, #tpu.memory_space<semaphore_mem>>) src(%dma_wait3A_305 : memref<512xi32, #tpu.memory_space<vmem>>) dst(%dma_wait3A_303 : memref<512xi32, #tpu.memory_space<hbm>>)
    %dma_wait3A_306 = arith.constant 7168 : i32
    %dma_wait3A_307 = tpu.memref_slice %arg11[%dma_wait3A_306] : memref<10240xi32, #tpu.memory_space<vmem>> -> memref<512xi32, #tpu.memory_space<vmem>>
    %dma_wait3A_308 = tpu.memref_slice %arg7[%add3A_150] : memref<327680xi32, #tpu.memory_space<hbm>> -> memref<512xi32, #tpu.memory_space<hbm>>
    %dma_wait3A_309 = tpu.memref_slice %arg7[%add3A_150] : memref<327680xi32, #tpu.memory_space<hbm>> -> memref<512xi32, #tpu.memory_space<hbm>>
    %dma_wait3A_310 = arith.constant 7168 : i32
    %dma_wait3A_311 = tpu.memref_slice %arg11[%dma_wait3A_310] : memref<10240xi32, #tpu.memory_space<vmem>> -> memref<512xi32, #tpu.memory_space<vmem>>
    tpu.wait_dma2 semaphore(%arg19 : memref<!tpu.dma_semaphore, #tpu.memory_space<semaphore_mem>>) src(%dma_wait3A_311 : memref<512xi32, #tpu.memory_space<vmem>>) dst(%dma_wait3A_309 : memref<512xi32, #tpu.memory_space<hbm>>)
    %dma_wait3A_312 = arith.constant 7680 : i32
    %dma_wait3A_313 = tpu.memref_slice %arg11[%dma_wait3A_312] : memref<10240xi32, #tpu.memory_space<vmem>> -> memref<512xi32, #tpu.memory_space<vmem>>
    %dma_wait3A_314 = tpu.memref_slice %arg7[%add3A_160] : memref<327680xi32, #tpu.memory_space<hbm>> -> memref<512xi32, #tpu.memory_space<hbm>>
    %dma_wait3A_315 = tpu.memref_slice %arg7[%add3A_160] : memref<327680xi32, #tpu.memory_space<hbm>> -> memref<512xi32, #tpu.memory_space<hbm>>
    %dma_wait3A_316 = arith.constant 7680 : i32
    %dma_wait3A_317 = tpu.memref_slice %arg11[%dma_wait3A_316] : memref<10240xi32, #tpu.memory_space<vmem>> -> memref<512xi32, #tpu.memory_space<vmem>>
    tpu.wait_dma2 semaphore(%arg19 : memref<!tpu.dma_semaphore, #tpu.memory_space<semaphore_mem>>) src(%dma_wait3A_317 : memref<512xi32, #tpu.memory_space<vmem>>) dst(%dma_wait3A_315 : memref<512xi32, #tpu.memory_space<hbm>>)
    %dma_wait3A_318 = arith.constant 8192 : i32
    %dma_wait3A_319 = tpu.memref_slice %arg11[%dma_wait3A_318] : memref<10240xi32, #tpu.memory_space<vmem>> -> memref<512xi32, #tpu.memory_space<vmem>>
    %dma_wait3A_320 = tpu.memref_slice %arg7[%add3A_170] : memref<327680xi32, #tpu.memory_space<hbm>> -> memref<512xi32, #tpu.memory_space<hbm>>
    %dma_wait3A_321 = tpu.memref_slice %arg7[%add3A_170] : memref<327680xi32, #tpu.memory_space<hbm>> -> memref<512xi32, #tpu.memory_space<hbm>>
    %dma_wait3A_322 = arith.constant 8192 : i32
    %dma_wait3A_323 = tpu.memref_slice %arg11[%dma_wait3A_322] : memref<10240xi32, #tpu.memory_space<vmem>> -> memref<512xi32, #tpu.memory_space<vmem>>
    tpu.wait_dma2 semaphore(%arg19 : memref<!tpu.dma_semaphore, #tpu.memory_space<semaphore_mem>>) src(%dma_wait3A_323 : memref<512xi32, #tpu.memory_space<vmem>>) dst(%dma_wait3A_321 : memref<512xi32, #tpu.memory_space<hbm>>)
    %dma_wait3A_324 = arith.constant 8704 : i32
    %dma_wait3A_325 = tpu.memref_slice %arg11[%dma_wait3A_324] : memref<10240xi32, #tpu.memory_space<vmem>> -> memref<512xi32, #tpu.memory_space<vmem>>
    %dma_wait3A_326 = tpu.memref_slice %arg7[%add3A_180] : memref<327680xi32, #tpu.memory_space<hbm>> -> memref<512xi32, #tpu.memory_space<hbm>>
    %dma_wait3A_327 = tpu.memref_slice %arg7[%add3A_180] : memref<327680xi32, #tpu.memory_space<hbm>> -> memref<512xi32, #tpu.memory_space<hbm>>
    %dma_wait3A_328 = arith.constant 8704 : i32
    %dma_wait3A_329 = tpu.memref_slice %arg11[%dma_wait3A_328] : memref<10240xi32, #tpu.memory_space<vmem>> -> memref<512xi32, #tpu.memory_space<vmem>>
    tpu.wait_dma2 semaphore(%arg19 : memref<!tpu.dma_semaphore, #tpu.memory_space<semaphore_mem>>) src(%dma_wait3A_329 : memref<512xi32, #tpu.memory_space<vmem>>) dst(%dma_wait3A_327 : memref<512xi32, #tpu.memory_space<hbm>>)
    %dma_wait3A_330 = arith.constant 9216 : i32
    %dma_wait3A_331 = tpu.memref_slice %arg11[%dma_wait3A_330] : memref<10240xi32, #tpu.memory_space<vmem>> -> memref<512xi32, #tpu.memory_space<vmem>>
    %dma_wait3A_332 = tpu.memref_slice %arg7[%add3A_190] : memref<327680xi32, #tpu.memory_space<hbm>> -> memref<512xi32, #tpu.memory_space<hbm>>
    %dma_wait3A_333 = tpu.memref_slice %arg7[%add3A_190] : memref<327680xi32, #tpu.memory_space<hbm>> -> memref<512xi32, #tpu.memory_space<hbm>>
    %dma_wait3A_334 = arith.constant 9216 : i32
    %dma_wait3A_335 = tpu.memref_slice %arg11[%dma_wait3A_334] : memref<10240xi32, #tpu.memory_space<vmem>> -> memref<512xi32, #tpu.memory_space<vmem>>
    tpu.wait_dma2 semaphore(%arg19 : memref<!tpu.dma_semaphore, #tpu.memory_space<semaphore_mem>>) src(%dma_wait3A_335 : memref<512xi32, #tpu.memory_space<vmem>>) dst(%dma_wait3A_333 : memref<512xi32, #tpu.memory_space<hbm>>)
    %dma_wait3A_336 = arith.constant 9728 : i32
    %dma_wait3A_337 = tpu.memref_slice %arg11[%dma_wait3A_336] : memref<10240xi32, #tpu.memory_space<vmem>> -> memref<512xi32, #tpu.memory_space<vmem>>
    %dma_wait3A_338 = tpu.memref_slice %arg7[%add3A_200] : memref<327680xi32, #tpu.memory_space<hbm>> -> memref<512xi32, #tpu.memory_space<hbm>>
    %dma_wait3A_339 = tpu.memref_slice %arg7[%add3A_200] : memref<327680xi32, #tpu.memory_space<hbm>> -> memref<512xi32, #tpu.memory_space<hbm>>
    %dma_wait3A_340 = arith.constant 9728 : i32
    %dma_wait3A_341 = tpu.memref_slice %arg11[%dma_wait3A_340] : memref<10240xi32, #tpu.memory_space<vmem>> -> memref<512xi32, #tpu.memory_space<vmem>>
    tpu.wait_dma2 semaphore(%arg19 : memref<!tpu.dma_semaphore, #tpu.memory_space<semaphore_mem>>) src(%dma_wait3A_341 : memref<512xi32, #tpu.memory_space<vmem>>) dst(%dma_wait3A_339 : memref<512xi32, #tpu.memory_space<hbm>>)
    return
  }
}

</mosaic_0001>

<sc_bundles>
// kernel: _detile.3.cloned.1.call-start
scs
__scs_entry_jumppad:
0x0: {  	(pc) =	sbr.rel $0x88, $3  }
0x1: {  	(tag) =	ssettag $0x0;
	lr =	simm.s32 $0x1  }
0x2: {  	[smem:$0x3F9C] =	sst lr;
	_ =	strace $0xD0000000  }
0x3: {  	_ = 	snop  }
0x4: {  	_ = 	snop  }
0x5: {  	_ = 	snop  }
0x6: {  	_ = 	snop  }
0x7: {  	_ = 	snop  }
__scs_overlays_trampoline_lowered:
0x8: {  	[smem:$0x3FAB] =	sst s0  }
0x9: {  	[smem:$0x3FAC] =	sst s1  }
0xa: {  	[smem:$0x3FAD] =	sst s2  }
0xb: {  	[smem:$0x3FAE] =	sst s3  }
0xc: {  	[smem:$0x3FAF] =	sst s4  }
0xd: {  	[smem:$0x3FB0] =	sst s5  }
0xe: {  	[smem:$0x3FB1] =	sst s6  }
0xf: {  	[smem:$0x3FB2] =	sst s7  }
0x10: {  	[smem:$0x3FB3] =	sst s8  }
0x11: {  	[smem:$0x3FB4] =	sst s9;
	s0 =	simm.s32 @!p0 $0x0  }
0x12: {  	s1 =	sld [smem:$0x3F9A];
	s0 =	simm.s32 @p0 $0x1  }
0x13: {  	[smem:$0x3FB5] =	sst s0;
	s0 =	simm.s32 @!p1 $0x0  }
0x14: {  	s2 =	sld [smem:$0x3F99];
	s0 =	simm.s32 @p1 $0x1  }
0x15: {  	[smem:$0x3FB6] =	sst s0;
	s0 =	simm.s32 @!p2 $0x0  }
0x16: {  	s3 =	sld [smem:$0x3FDB];
	s0 =	simm.s32 @p2 $0x1  }
0x17: {  	s4 =	simm.s32 $0x1BF5;
	[smem:$0x3FB8] =	sst s0  }
0x18: {  	s0 =	sld [smem:$0x3F9B];
	_ =	swait.ge [sflag:s4], $0x0  }
0x19: {  	s7 =	sld [smem:$0x3F9C]  }
0x1a: {  	s8 =	sadd.s32 $0xFFFFE003, lr  }
0x1b: {  	s9 =	sadd.s32 $0xFFFFFEF7, lr;
	s5 =	simm.s32 $0xFFFFFFFF;
	p2 =	slt.u32 s8, $0xFFFFF086  }
0x1c: {  	p1 =	slt.u32 s9, $0xF7A;
	s5 =	simm.s32 @!p2 $0x0  }
0x1d: {  	s5 =	simm.s32 @p1 $0x1;
	p0 =	seq.s32 s7, s2  }
0x1e: {  	s7 =	smul.u32 @!p0 $0xF7A, s2;
	p2 =	seq.s32 @!p0 s5, $0x0  }
0x1f: {  	s9 =	smul.u32 $0xF7A, s1;
	s8 =	simm.s32 @!p0 $0x1BF5;
	p2 =	por !p2, p0  }
0x20: {  	[sflag:s8] =	ssyncset.s32 @!p0 $0xFFFFF086;
	s6 =	sadd.s32 @!p0 s3, s7;
	s7 =	simm.s32 @!p0 $0x108  }
0x21: {  	s3 =	sadd.s32 s3, s9;
	s6 =	sadd.s32 @!p0 $0x88, s6;
	s7 =	simm.s32 @p2 $0x1082  }
0x22: {  	[simem:s7], [sflag:s8] =	dma.local @!p0 [hbm:s6], $0xF7A  }
0x23: {  	s9 =	sor.u32 $0xD0000000, s2;
	s6 =	simm.s32 $0x108;
	_ =	swait.ge @!p0 [sflag:s8], $0x0  }
0x24: {  	s3 =	sadd.s32 $0x88, s3;
	s6 =	simm.s32 @!p1 $0x1082;
	[sflag:s4] =	ssyncset.s32 $0xFFFFF086  }
0x25: {  	[simem:s6], [sflag:s4] =	dma.local [hbm:s3], $0xF7A  }
0x26: {  	[smem:$0x3F9C] =	sst s1;
	(tag) =	ssettag s2;
	_ =	strace s9  }
0x27: {  	s1 =	sld [smem:$0x3FAC]  }
0x28: {  	s2 =	sld [smem:$0x3FAD]  }
0x29: {  	s4 =	sld [smem:$0x3FAF]  }
0x2a: {  	p0 =	seq.s32 s5, $0x0;
	s5 =	sld [smem:$0x3FB0]  }
0x2b: {  	s6 =	sld [smem:$0x3FB1]  }
0x2c: {  	s7 =	sld [smem:$0x3FB2]  }
0x2d: {  	s3 =	simm.s32 $0x108;
	s8 =	sld [smem:$0x3FB3]  }
0x2e: {  	s3 =	simm.s32 @!p0 $0x1082;
	s9 =	sld [smem:$0x3FB4]  }
0x2f: {  	lr =	sadd.s32 s0, s3;
	s0 =	sld [smem:$0x3FAB]  }
0x30: {  	s3 =	sld [smem:$0x3FAE]  }
0x31: {  	[smem:$0x3FB7] =	sst s10  }
0x32: {  	s10 =	sld [smem:$0x3FB5];
	_ =	sdelay $0x3  }
0x33: {  	p0 =	seq.s32 s10, $0x1;
	s10 =	sld [smem:$0x3FB7];
	_ =	sdelay $0x3  }
0x34: {  	[smem:$0x3FB7] =	sst s10  }
0x35: {  	s10 =	sld [smem:$0x3FB6];
	_ =	sdelay $0x3  }
0x36: {  	p1 =	seq.s32 s10, $0x1;
	s10 =	sld [smem:$0x3FB7];
	_ =	sdelay $0x3  }
0x37: {  	[smem:$0x3FB7] =	sst s10  }
0x38: {  	s10 =	sld [smem:$0x3FB8]  }
0x39: {  	_ = 	snop;
	(pc) =	sbr.ind lr, $3  }
0x3a: {  	_ = 	snop  }
0x3b: {  	_ = 	snop  }
0x3c: {  	p2 =	seq.s32 s10, $0x1;
	s10 =	sld [smem:$0x3FB7]  }
0x3d: {  	_ =	shalt  }
0x3e: {  	_ =	shalt  }
0x3f: {  	_ =	shalt  }
0x40: {  	_ =	shalt  }
0x41: {  	_ =	shalt  }
0x42: {  	_ =	shalt  }
0x43: {  	_ =	shalt  }
0x44: {  	_ =	shalt  }
0x45: {  	_ =	shalt  }
0x46: {  	_ =	shalt  }
0x47: {  	_ =	shalt  }
0x48: {  	_ =	shalt  }
0x49: {  	_ =	shalt  }
0x4a: {  	_ =	shalt  }
0x4b: {  	_ =	shalt  }
0x4c: {  	_ =	shalt  }
0x4d: {  	_ =	shalt  }
0x4e: {  	_ =	shalt  }
0x4f: {  	_ =	shalt  }
0x50: {  	_ =	shalt  }
0x51: {  	_ =	shalt  }
0x52: {  	_ =	shalt  }
0x53: {  	_ =	shalt  }
0x54: {  	_ =	shalt  }
0x55: {  	_ =	shalt  }
0x56: {  	_ =	shalt  }
0x57: {  	_ =	shalt  }
0x58: {  	_ =	shalt  }
0x59: {  	_ =	shalt  }
0x5a: {  	_ =	shalt  }
0x5b: {  	_ =	shalt  }
0x5c: {  	_ =	shalt  }
0x5d: {  	_ =	shalt  }
0x5e: {  	_ =	shalt  }
0x5f: {  	_ =	shalt  }
0x60: {  	_ =	shalt  }
0x61: {  	_ =	shalt  }
0x62: {  	_ =	shalt  }
0x63: {  	_ =	shalt  }
0x64: {  	_ =	shalt  }
0x65: {  	_ =	shalt  }
0x66: {  	_ =	shalt  }
0x67: {  	_ =	shalt  }
0x68: {  	_ =	shalt  }
0x69: {  	_ =	shalt  }
0x6a: {  	_ =	shalt  }
0x6b: {  	_ =	shalt  }
0x6c: {  	_ =	shalt  }
0x6d: {  	_ =	shalt  }
0x6e: {  	_ =	shalt  }
0x6f: {  	_ =	shalt  }
0x70: {  	_ =	shalt  }
0x71: {  	_ =	shalt  }
0x72: {  	_ =	shalt  }
0x73: {  	_ =	shalt  }
0x74: {  	_ =	shalt  }
0x75: {  	_ =	shalt  }
0x76: {  	_ =	shalt  }
0x77: {  	_ =	shalt  }
0x78: {  	_ =	shalt  }
0x79: {  	_ =	shalt  }
0x7a: {  	_ =	shalt  }
0x7b: {  	_ =	shalt  }
0x7c: {  	_ =	shalt  }
0x7d: {  	_ =	shalt  }
0x7e: {  	_ =	shalt  }
0x7f: {  	_ =	shalt  }
0x80: {  	_ =	shalt  }
0x81: {  	_ =	shalt  }
0x82: {  	_ =	shalt  }
0x83: {  	_ =	shalt  }
0x84: {  	_ =	shalt  }
0x85: {  	_ =	shalt  }
0x86: {  	_ =	shalt  }
0x87: {  	_ =	shalt  }
.Lfunc_end0:
.L_simem_size_0:
called_computation_lowered:
.L_overlay_start_0:
0x88: {  	s2 =	sld [smem:$0x3FD9]  }
0x89: {  	s3 =	sld [smem:$0x3FFE];
	_ =	sdelay $0x1  }
0x8a: {  	s1 =	srdreg.scid  }
0x8b: {  	s0 =	sand.u32 $0x1, s1  }
0x8c: {  	s15 =	sshll.u32 s0, $0xA;
	s2 =	sadd.s32 s3, s2  }
0x8d: {  	s2 =	sadd.s32 s2, s15  }
0x8e: {  	[smem:$0x3FC3] =	sst s2  }
0x8f: {  	_ = 	snop  }
0x90: {  	s2 =	sld [smem:$0x3FC9]  }
0x91: {  	s16 =	sld [smem:$0x3FC8]  }
0x92: {  	s4 =	sld [smem:$0x3FD0]  }
0x93: {  	s5 =	sld [smem:$0x3FC7]  }
0x94: {  	s6 =	sld [smem:$0x3FC6]  }
0x95: {  	s8 =	simm.s32 $0xA;
	s9 =	simm.s32 $0x10;
	s7 =	sld [smem:$0x3FC5]  }
0x96: {  	[smem:s9], [sflag:s8] =	dma.local [hbm:s4], $0x1  }
0x97: {  	_ =	swait.eq [sflag:s8], $0x1  }
0x98: {  	s17 =	sld [smem:$0x10];
	[sflag:s8] =	ssyncset.done $0x0  }
0x99: {  	s18 =	sld [smem:$0x11];
	[sflag:s8] =	ssyncadd.s32 $0xFFFFFFFF  }
0x9a: {  	s19 =	sld [smem:$0x12];
	(tm) =	ssettm $0x1  }
0x9b: {  	s10 =	sld [smem:$0x3FFB];
	_ =	sdelay $0x3  }
0x9c: {  	_ =	strace s10  }
0x9d: {  	s10 =	sld [smem:$0x3FFC];
	_ =	sdelay $0x3  }
0x9e: {  	_ =	strace s10  }
0x9f: {  	s10 =	sld [smem:$0x3FFD];
	_ =	sdelay $0x3  }
0xa0: {  	_ =	strace s10  }
0xa1: {  	_ =	strace $0x8FFFFFFF  }
0xa2: {  	s20 =	sld [smem:$0x3FDB];
	_ =	sdelay $0x1  }
0xa3: {  	s11 =	simm.s32 $_scs_section_size  }
0xa4: {  	s12 =	simm.s32 $_size__tile_overlayer_lowered;
	s13 =	simm.s32 $_tile_overlayer_lowered  }
0xa5: {  	s23 =	simm.s32 $0x1BFF;
	s22 =	sshll.u32 s13, $0x1;
	s10 =	sadd.s32 s11, s20  }
0xa6: {  	s14 =	simm.s32 $0x0;
	s21 =	sshll.u32 s12, $0x1;
	s12 =	sadd.s32 s22, s10  }
0xa7: {  	[timem:s14], [sflag:s23] =	dma.local [hbm:s12], s21  }
0xa8: {  	_ =	swait.ge [sflag:s23], s21  }
0xa9: {  	s11 =	ssub.s32 $0x0, s21;
	[sflag:s23] =	ssyncset.done $0x0  }
0xaa: {  	[sflag:s23] =	ssyncadd.s32 s11;
	_ =	sdelay $0x1  }
0xab: {  	s24 =	simm.s32 $0x1B8B  }
0xac: {  	_ =	swait.ge [sflag:s24], $0x1  }
0xad: {  	[sflag:s24] =	ssyncset.done $0x0  }
0xae: {  	s25 =	simm.s32 $0x1B8E;
	[sflag:s24] =	ssyncadd.s32 $0xFFFFFFFF  }
0xaf: {  	s26 =	simm.s32 $execute0_lowered;
	[smem:$0x3FD2] =	sst s25  }
0xb0: {  	s11 =	sshll.u32 s26, $0x1;
	_ =	strace $0x80000046;
	[dreg:$0x1] =	wrdreg $0xFFFFFFFF  }
0xb1: {  	s28 =	simm.s32 $_size_execute0_lowered;
	s10 =	sadd.s32 s10, s11;
	[dreg:$0x0] =	wrdreg $0x0  }
0xb2: {  	s11 =	sshll.u32 s28, $0x1;
	[dreg:$0x2] =	wrdreg s10  }
0xb3: {  	[dreg:$0x3] =	wrdreg s11  }
0xb4: {  	[dreg:$0x4] =	wrdreg $0xC0  }
0xb5: {  	_ =	task [dreg:s14], $0x5FFFF  }
0xb6: {  	[dreg:$0x1] =	wrdreg $0xFFFFFFFF  }
0xb7: {  	[dreg:$0x0] =	wrdreg $0x60  }
0xb8: {  	[dreg:$0x2] =	wrdreg s2  }
0xb9: {  	[dreg:$0x3] =	wrdreg s16  }
0xba: {  	[dreg:$0x4] =	wrdreg s5  }
0xbb: {  	[dreg:$0x5] =	wrdreg s6  }
0xbc: {  	[dreg:$0x6] =	wrdreg s7  }
0xbd: {  	[dreg:$0x7] =	wrdreg s17  }
0xbe: {  	[dreg:$0x8] =	wrdreg s18  }
0xbf: {  	[dreg:$0x9] =	wrdreg s19  }
0xc0: {  	[dreg:$0xa] =	wrdreg $0x9  }
0xc1: {  	_ =	task.clear_ibuf [dreg:s14], $0xBFFFF;
	_ =	strace $0x90000046  }
0xc2: {  	s29 =	simm.s32 $0x9;
	_ =	strace $0x80000048  }
0xc3: {  	_ =	swait.ge [sflag:s29], $0x1  }
0xc4: {  	[sflag:s29] =	ssyncadd.s32 $0xFFFFFFFF  }
0xc5: {  	_ =	strace $0x90000048  }
0xc6: {  	_ =	sfence  }
0xc7: {  	s30 =	sld [smem:$0x0];
	_ =	sdelay $0x2  }
0xc8: {  	s31 =	sshll.u32 s1, $0xD;
	s1 =	sshrl.u32 s1, $0x2  }
0xc9: {  	s3 =	sand.u32 $0x4000, s31;
	s1 =	sadd.s32 s1, s30  }
0xca: {  	s0 =	sor.u32 s3, s0;
	s1 =	sshll.u32 s1, $0x11  }
0xcb: {  	s0 =	sor.u32 s1, s0  }
0xcc: {  	s0 =	sadd.s32 $0x8F2B, s0  }
0xcd: {  	[sflag:s0] =	ssyncadd.remote.s32 $0x1  }
0xce: {  	_ =	sfence.sel $0xFFFF  }
0xcf: {  	[dreg:$0x0] =	wrdreg $0xFFFFFFFF;
	(pc) =	sbr.abs _section_cstart, $3  }
0xd0: {  	[dreg:$0x1] =	wrdreg $0xFFFFFFFF  }
0xd1: {  	_ =	task.clear_ibuf [dreg:s14], $0x2FFFF;
	_ =	strace $0x9FFFFFFF  }
0xd2: {  	(tm) =	ssettm $0x7FFFFFFF  }
0xd3: {  	_ =	shalt  }
tec
execute0_lowered:
.L_overlay_start_1:
0x0: {  	(tag) =	ssettag $0x1  }
0x1: {  	s0 =	rddreg [dreg:$0x0]  }
0x2: {  	s1 =	rddreg [dreg:$0x1]  }
0x3: {  	s2 =	rddreg [dreg:$0x2]  }
0x4: {  	s3 =	rddreg [dreg:$0x5]  }
0x5: {  	s5 =	rddreg [dreg:$0x6]  }
0x6: {  	s7 =	rddreg [dreg:$0x7]  }
0x7: {  	s4 =	simm.s32 $0x0;
	s6 =	srdreg.scid;
	s17 =	stileid.u32  }
0x8: {  	[smem:$0x7FF] =	sst s4;
	s6 =	sand.u32 $0x1, s6;
	s8 =	sshll.u32 s17, $0x1  }
0x9: {  	s22 =	sadd.s32 $0x18380, s1;
	s25 =	sadd.s32 $0x18380, s5;
	s26 =	sadd.s32 $0x18680, s5  }
0xa: {  	p2 =	sgt.u32 s17, $0xC;
	_ =	strace $0x80000047;
	[dreg:$0x11] =	wrdreg s22  }
0xb: {  	s17 =	simm.s32 $0x5800;
	s8 =	sor.u32 s6, s8;
	[dreg:$0x13] =	wrdreg s25  }
0xc: {  	s9 =	ssub.s32 $0x2, s6;
	[dreg:$0x14] =	wrdreg s26;
	s19 =	smul.u32 $0xC80, s8  }
0xd: {  	v1 =	vlaneseq.u32;
	v2 =	vimm.s32 $0xF80;
	vm0 =	vcmask $0x300;
	s22 =	simm.s32 $0x1;
	s12 =	sshrl.u32 s9, $0x1;
	s20 =	smul.u32 $0x180, s8  }
0xe: {  	v3 =	vimm.s32 $0xF83;
	vm1 =	vcmask $0x704;
	vm15 =	vcmask $0xB08;
	s10 =	sshll.u32 s8, $0x9;
	s11 =	sshll.u32 s8, $0x6;
	s24 =	smul.u32 $0x300, s8  }
0xf: {  	vm4 =	vcmask $0xF0C;
	v2 =	vsel vm0, $0x0, v2;
	v3 =	vsel vm0, $0x3, v3;
	p0 =	seq.s32 s8, $0x1F;
	p1 =	sne.s32 s8, $0x1A;
	s0 =	sadd.s32 s0, s10  }
0x10: {  	vm5 =	vcmask $0x1310;
	v2 =	vsel vm1, $0x80, v2;
	v3 =	vsel vm1, $0x83, v3;
	s9 =	ssub.s32 s9, s12;
	s6 =	sadd.s32 s3, s11;
	[dreg:$0x9] =	wrdreg s0  }
0x11: {  	vm6 =	vcmask $0x1714;
	v2 =	vsel vm15, $0x100, v2;
	v3 =	vsel vm15, $0x103, v3;
	s13 =	sadd.s32 $0x800, s6;
	s14 =	sadd.s32 $0x1000, s6;
	s15 =	sadd.s32 $0x1800, s6  }
0x12: {  	vm7 =	vcmask $0x1B18;
	v2 =	vsel vm4, $0x180, v2;
	v3 =	vsel vm4, $0x183, v3;
	s16 =	sadd.s32 $0x2000, s6;
	s18 =	sadd.s32 $0x2800, s6;
	s12 =	sadd.s32 $0x3000, s6  }
0x13: {  	vm8 =	vcmask $0x1F1C;
	s21 =	sadd.s32 s1, s19;
	s0 =	sadd.s32 s5, s19;
	s23 =	sadd.s32 s2, s20;
	v2 =	vsel vm5, $0x200, v2;
	v3 =	vsel vm5, $0x203, v3  }
0x14: {  	vm9 =	vcmask $0x2320;
	s25 =	smax.u32 s9, $0x1;
	s26 =	sadd.s32 $0x5800, s6;
	[dreg:$0xa] =	wrdreg s13;
	v2 =	vsel vm6, $0x280, v2;
	v3 =	vsel vm6, $0x283, v3  }
0x15: {  	vm10 =	vcmask $0x2724;
	s28 =	sadd.s32 $0x6000, s6;
	s29 =	sadd.s32 $0x6800, s6;
	[dreg:$0xb] =	wrdreg s14;
	v2 =	vsel vm7, $0x300, v2;
	v3 =	vsel vm7, $0x303, v3  }
0x16: {  	vm11 =	vcmask $0x2B28;
	s30 =	sadd.s32 $0x7000, s6;
	s31 =	sadd.s32 $0x7800, s6;
	[dreg:$0xc] =	wrdreg s15;
	v2 =	vsel vm8, $0x380, v2;
	v3 =	vsel vm8, $0x383, v3  }
0x17: {  	vm12 =	vcmask $0x2F2C;
	s3 =	sadd.s32 $0x8800, s6;
	s1 =	sadd.s32 $0x9000, s6;
	[dreg:$0xd] =	wrdreg s16;
	v2 =	vsel vm9, $0xC00, v2;
	v3 =	vsel vm9, $0xC03, v3  }
0x18: {  	vm13 =	vcmask $0x3330;
	s2 =	sadd.s32 $0x9800, s6;
	s19 =	simm.s32 $0x2;
	[dreg:$0xe] =	wrdreg s18;
	v2 =	vsel vm10, $0xC80, v2;
	v3 =	vsel vm10, $0xC83, v3  }
.Ltmp0:
0x19: {  	vm14 =	vcmask $0x3734;
	s20 =	simm.s32 $0x3000;
	[dreg:$0xf] =	wrdreg s21;
	v2 =	vsel vm11, $0xD00, v2;
	v3 =	vsel vm11, $0xD03, v3;
	(pc) =	sbr.rel .LBB2_1-.Ltmp0, $4  }
0x1a: {  	v0 =	vshrl.u32 v1, $0x3;
	s13 =	sadd.s32 $0x3800, s6;
	s14 =	sadd.s32 $0x4000, s6;
	[dreg:$0x10] =	wrdreg s0;
	v2 =	vsel vm12, $0xD80, v2;
	v3 =	vsel vm12, $0xD83, v3  }
0x1b: {  	v1 =	vand.u32 $0x7, v1;
	s15 =	sadd.s32 $0x4800, s6;
	s16 =	sadd.s32 $0x5000, s6;
	[dreg:$0x12] =	wrdreg s23;
	v2 =	vsel vm13, $0xE00, v2;
	v3 =	vsel vm13, $0xE03, v3  }
0x1c: {  	vm15 =	vcmask $0x3B38;
	s0 =	sadd.s32 s7, s24;
	s24 =	sadd.s32 $0x4E00, s7;
	s21 =	simm.s32 $0x12000;
	v2 =	vsel vm14, $0xE80, v2;
	v3 =	vsel vm14, $0xE83, v3  }
0x1d: {  	v1 =	vmul.u32 $0x80, v1;
	s23 =	simm.s32 $0x0;
	[dreg:$0x15] =	wrdreg s0;
	s0 =	sadd.s32 $0x8000, s6;
	v2 =	vsel vm15, $0xF00, v2;
	v3 =	vsel vm15, $0xF03, v3  }
.LBB2_13:
0x1e: {  	_ =	sdelay $0x1  }
0x1f: {  	v7 =	vshll.u32 v6, $0x3  }
0x20: {  	[tilespmem:s5+$0x20] =	vst v5;
	v5 =	vand.u32 $0x78, v6;
	v61 =	vand.u32 $0xC00, v7  }
0x21: {  	v4 =	vld.idx.msk [tilespmem:v4+s21+$0x0], $0xffff;
	v5 =	vor.u32 v5, v61  }
0x22: {  	v6 =	vadd.s32 v2, v5;
	_ =	sdelay $0x3  }
0x23: {  	[tilespmem:s5+$0x30] =	vst v4  }
0x24: {  	v4 =	vld.idx.msk [tilespmem:v6+s21+$0x0], $0xffff  }
0x25: {  	v62 =	vor.u32 $0x1, v6;
	_ =	sdelay $0x2  }
0x26: {  	s11 =	sadd.s32 $0x80, s5  }
0x27: {  	[tilespmem:s11+$0xFFFFFFC0] =	vst v4  }
0x28: {  	v4 =	vld.idx.msk [tilespmem:v62+s21+$0x0], $0xffff  }
0x29: {  	v63 =	vor.u32 $0x2, v6;
	_ =	sdelay $0x3  }
0x2a: {  	[tilespmem:s11+$0xFFFFFFD0] =	vst v4  }
0x2b: {  	v4 =	vld.idx.msk [tilespmem:v63+s21+$0x0], $0xffff  }
0x2c: {  	v5 =	vadd.s32 v3, v5;
	_ =	sdelay $0x3  }
0x2d: {  	[tilespmem:s11+$0xFFFFFFE0] =	vst v4  }
0x2e: {  	v4 =	vld.idx.msk [tilespmem:v5+s21+$0x0], $0xffff  }
0x2f: {  	v5 =	vor.u32 $0x4, v6;
	_ =	sdelay $0x3  }
0x30: {  	[tilespmem:s11+$0xFFFFFFF0] =	vst v4  }
0x31: {  	v4 =	vld.idx.msk [tilespmem:v5+s21+$0x0], $0xffff  }
0x32: {  	v5 =	vor.u32 $0x5, v6;
	_ =	sdelay $0x3  }
0x33: {  	[tilespmem:s11+$0x0] =	vst v4  }
0x34: {  	v4 =	vld.idx.msk [tilespmem:v5+s21+$0x0], $0xffff  }
0x35: {  	v5 =	vor.u32 $0x6, v6;
	_ =	sdelay $0x3  }
0x36: {  	[tilespmem:s11+$0x10] =	vst v4  }
0x37: {  	v4 =	vld.idx.msk [tilespmem:v5+s21+$0x0], $0xffff  }
0x38: {  	v5 =	vor.u32 $0x7, v6;
	_ =	sdelay $0x3  }
0x39: {  	[tilespmem:s11+$0x20] =	vst v4  }
0x3a: {  	v4 =	vld.idx.msk [tilespmem:v5+s21+$0x0], $0xffff;
	_ =	sdelay $0x4  }
0x3b: {  	s18 =	rddreg [dreg:$0x15];
	s7 =	simm.s32 $0x13800;
	[tilespmem:s11+$0x30] =	vst v4  }
0x3c: {  	[hbm4b:s18+s4] =	stream.linear.scatter [tilespmem:s7], [sflag:$0x2], $0x1800, $0x38;
	[tilespmem:$0x15280] =	vst v63  }
0x3d: {  	_ =	swait.ge [sflag:s19], $0x1800  }
0x3e: {  	[sflag:s19] =	ssyncset.done $0x0  }
0x3f: {  	[sflag:s19] =	ssyncadd.s32 $0xFFFFE800  }
.LBB2_14:
0x40: {  	s5 =	simm.s32 @!p1 $0x0;
	s7 =	simm.s32 @!p1 $0x15180;
	s8 =	rddreg [dreg:$0x4]  }
0x41: {  	[tilespmem:s7], [sflag:$0x2] =	stream.linear.gather @!p1 [hbm4b:s8+s5], $0x100, $0x38;
	[tilespmem:$0x15280] =	vst v63  }
0x42: {  	s8 =	simm.s32 @!p1 $0x2  }
0x43: {  	_ =	swait.ge @!p1 [sflag:s8], $0x100  }
0x44: {  	[sflag:s8] =	ssyncset.done @!p1 $0x0  }
0x45: {  	[sflag:s8] =	ssyncadd.s32 @!p1 $0xFFFFFF00  }
0x46: {  	[hbm4b:s24+s5] =	stream.linear.scatter @!p1 [tilespmem:s7], [sflag:$0x2], $0x100, $0x38;
	[tilespmem:$0x15280] =	vst v63  }
0x47: {  	_ =	swait.ge @!p1 [sflag:s8], $0x100  }
0x48: {  	[sflag:s8] =	ssyncset.done @!p1 $0x0  }
0x49: {  	[sflag:s8] =	ssyncadd.s32 @!p1 $0xFFFFFF00  }
0x4a: {  	_ =	swait.ge [sflag:s22], $0x200  }
0x4b: {  	[sflag:s22] =	ssyncset.done $0x0  }
0x4c: {  	[sflag:s22] =	ssyncadd.s32 $0xFFFFFE00  }
0x4d: {  	_ =	swait.ge [sflag:s22], $0x200  }
0x4e: {  	[sflag:s22] =	ssyncset.done $0x0  }
0x4f: {  	[sflag:s22] =	ssyncadd.s32 $0xFFFFFE00  }
0x50: {  	_ =	swait.ge [sflag:s22], $0x200  }
0x51: {  	[sflag:s22] =	ssyncset.done $0x0  }
0x52: {  	[sflag:s22] =	ssyncadd.s32 $0xFFFFFE00  }
0x53: {  	_ =	swait.ge [sflag:s22], $0x200  }
0x54: {  	[sflag:s22] =	ssyncset.done $0x0  }
0x55: {  	[sflag:s22] =	ssyncadd.s32 $0xFFFFFE00  }
0x56: {  	_ =	swait.ge [sflag:s22], $0x200  }
0x57: {  	[sflag:s22] =	ssyncset.done $0x0  }
0x58: {  	[sflag:s22] =	ssyncadd.s32 $0xFFFFFE00  }
0x59: {  	_ =	swait.ge [sflag:s22], $0x200  }
0x5a: {  	[sflag:s22] =	ssyncset.done $0x0  }
0x5b: {  	[sflag:s22] =	ssyncadd.s32 $0xFFFFFE00  }
0x5c: {  	_ =	swait.ge [sflag:s22], $0x200  }
0x5d: {  	[sflag:s22] =	ssyncset.done $0x0  }
0x5e: {  	[sflag:s22] =	ssyncadd.s32 $0xFFFFFE00  }
0x5f: {  	_ =	swait.ge [sflag:s22], $0x200  }
0x60: {  	[sflag:s22] =	ssyncset.done $0x0  }
0x61: {  	[sflag:s22] =	ssyncadd.s32 $0xFFFFFE00  }
0x62: {  	_ =	swait.ge [sflag:s22], $0x200  }
0x63: {  	[sflag:s22] =	ssyncset.done $0x0  }
0x64: {  	[sflag:s22] =	ssyncadd.s32 $0xFFFFFE00  }
0x65: {  	_ =	swait.ge [sflag:s22], $0x200  }
0x66: {  	[sflag:s22] =	ssyncset.done $0x0  }
0x67: {  	[sflag:s22] =	ssyncadd.s32 $0xFFFFFE00  }
0x68: {  	_ =	swait.ge [sflag:s22], $0x200  }
0x69: {  	[sflag:s22] =	ssyncset.done $0x0  }
0x6a: {  	[sflag:s22] =	ssyncadd.s32 $0xFFFFFE00  }
0x6b: {  	_ =	swait.ge [sflag:s22], $0x200  }
0x6c: {  	[sflag:s22] =	ssyncset.done $0x0  }
0x6d: {  	[sflag:s22] =	ssyncadd.s32 $0xFFFFFE00  }
0x6e: {  	_ =	swait.ge [sflag:s22], $0x200  }
0x6f: {  	[sflag:s22] =	ssyncset.done $0x0  }
0x70: {  	[sflag:s22] =	ssyncadd.s32 $0xFFFFFE00  }
0x71: {  	_ =	swait.ge [sflag:s22], $0x200  }
0x72: {  	[sflag:s22] =	ssyncset.done $0x0  }
0x73: {  	[sflag:s22] =	ssyncadd.s32 $0xFFFFFE00  }
0x74: {  	_ =	swait.ge [sflag:s22], $0x200  }
0x75: {  	[sflag:s22] =	ssyncset.done $0x0  }
0x76: {  	[sflag:s22] =	ssyncadd.s32 $0xFFFFFE00  }
0x77: {  	_ =	swait.ge [sflag:s22], $0x200  }
0x78: {  	[sflag:s22] =	ssyncset.done $0x0  }
0x79: {  	[sflag:s22] =	ssyncadd.s32 $0xFFFFFE00  }
0x7a: {  	_ =	swait.ge [sflag:s22], $0x200  }
0x7b: {  	[sflag:s22] =	ssyncset.done $0x0  }
0x7c: {  	[sflag:s22] =	ssyncadd.s32 $0xFFFFFE00  }
0x7d: {  	_ =	swait.ge [sflag:s22], $0x200  }
0x7e: {  	[sflag:s22] =	ssyncset.done $0x0  }
0x7f: {  	s23 =	sadd.s32 $0x1, s23;
	[sflag:s22] =	ssyncadd.s32 $0xFFFFFE00  }
0x80: {  	p3 =	sne.s32 s23, s25;
	_ =	swait.ge [sflag:s22], $0x200  }
.Ltmp1:
0x81: {  	[sflag:s22] =	ssyncset.done $0x0;
	(pc) =	sbr.rel @!p3 .LBB2_15-.Ltmp1, $4  }
0x82: {  	[sflag:s22] =	ssyncadd.s32 $0xFFFFFE00  }
0x83: {  	_ =	swait.ge [sflag:s22], $0x200  }
0x84: {  	[sflag:s22] =	ssyncset.done $0x0  }
0x85: {  	[sflag:s22] =	ssyncadd.s32 $0xFFFFFE00  }
.LBB2_1:
0x86: {  	s5 =	rddreg [dreg:$0x9];
	s7 =	simm.s32 $0x1000;
	s8 =	simm.s32 $0x20000  }
0x87: {  	[tilespmem:s4], [sflag:$0x2] =	stream.strided.gather [hbm4b:s5+s7], $0x3000, s8, s7, $0x38;
	[tilespmem:$0x15280] =	vst v63  }
0x88: {  	_ =	swait.ge [sflag:s19], $0x3000  }
0x89: {  	s9 =	sand.u32 $0x70, s4;
	s10 =	sand.u32 $0xC00, s4;
	[sflag:s19] =	ssyncset.done $0x0  }
0x8a: {  	s11 =	sor.u32 s9, s10;
	[sflag:s19] =	ssyncadd.s32 $0xFFFFD000  }
0x8b: {  	v4 =	vld [tilespmem:s11+$0x0];
	_ =	sdelay $0x4  }
0x8c: {  	[tilespmem:s20+$0x0] =	vst v4  }
0x8d: {  	v4 =	vld [tilespmem:s11+$0x80];
	_ =	sdelay $0x3  }
0x8e: {  	s5 =	sand.u32 $0x1F0, s4  }
0x8f: {  	[tilespmem:s5+$0x3200] =	vst v4  }
0x90: {  	v4 =	vld [tilespmem:s11+$0x100];
	_ =	sdelay $0x4  }
0x91: {  	[tilespmem:s5+$0x3400] =	vst v4  }
0x92: {  	v4 =	vld [tilespmem:s11+$0x180];
	_ =	sdelay $0x4  }
0x93: {  	[tilespmem:s5+$0x3600] =	vst v4  }
0x94: {  	v4 =	vld [tilespmem:s11+$0x200];
	_ =	sdelay $0x4  }
0x95: {  	[tilespmem:s5+$0x3800] =	vst v4  }
0x96: {  	v4 =	vld [tilespmem:s11+$0x280];
	_ =	sdelay $0x4  }
0x97: {  	[tilespmem:s5+$0x3A00] =	vst v4  }
0x98: {  	v4 =	vld [tilespmem:s11+$0x300];
	_ =	sdelay $0x3  }
0x99: {  	s18 =	sor.u32 s4, s4  }
0x9a: {  	s7 =	sor.u32 $0x380, s18;
	[tilespmem:s5+$0x3C00] =	vst v4  }
0x9b: {  	v4 =	vld [tilespmem:s7+$0x0];
	_ =	sdelay $0x4  }
0x9c: {  	[tilespmem:s5+$0x3E00] =	vst v4  }
0x9d: {  	v4 =	vld [tilespmem:s11+$0x1000];
	_ =	sdelay $0x4  }
0x9e: {  	[tilespmem:s5+$0x4000] =	vst v4  }
0x9f: {  	v4 =	vld [tilespmem:s11+$0x1080];
	_ =	sdelay $0x4  }
0xa0: {  	[tilespmem:s5+$0x4200] =	vst v4  }
0xa1: {  	v4 =	vld [tilespmem:s11+$0x1100];
	_ =	sdelay $0x4  }
0xa2: {  	[tilespmem:s5+$0x4400] =	vst v4  }
0xa3: {  	v4 =	vld [tilespmem:s11+$0x1180];
	_ =	sdelay $0x4  }
0xa4: {  	[tilespmem:s5+$0x4600] =	vst v4  }
0xa5: {  	v4 =	vld [tilespmem:s11+$0x1200];
	_ =	sdelay $0x4  }
0xa6: {  	[tilespmem:s5+$0x4800] =	vst v4  }
0xa7: {  	v4 =	vld [tilespmem:s11+$0x1280];
	_ =	sdelay $0x4  }
0xa8: {  	[tilespmem:s5+$0x4A00] =	vst v4  }
0xa9: {  	v4 =	vld [tilespmem:s11+$0x1300];
	_ =	sdelay $0x4  }
0xaa: {  	[tilespmem:s5+$0x4C00] =	vst v4  }
0xab: {  	v4 =	vld [tilespmem:s11+$0x1380];
	_ =	sdelay $0x4  }
0xac: {  	[tilespmem:s5+$0x4E00] =	vst v4  }
0xad: {  	v4 =	vld [tilespmem:s11+$0x2000];
	_ =	sdelay $0x4  }
0xae: {  	[tilespmem:s5+$0x5000] =	vst v4  }
0xaf: {  	v4 =	vld [tilespmem:s11+$0x2080];
	_ =	sdelay $0x4  }
0xb0: {  	[tilespmem:s5+$0x5200] =	vst v4  }
0xb1: {  	v4 =	vld [tilespmem:s11+$0x2100];
	_ =	sdelay $0x4  }
0xb2: {  	[tilespmem:s5+$0x5400] =	vst v4  }
0xb3: {  	v4 =	vld [tilespmem:s11+$0x2180];
	_ =	sdelay $0x2  }
0xb4: {  	s18 =	simm.s32 $0x10;
	s9 =	simm.s32 $0x20;
	s7 =	simm.s32 $0x80  }
0xb5: {  	s8 =	simm.s32 $0x3000;
	s10 =	sand.u32 $0x70, s18;
	s11 =	sand.u32 $0xC00, s7  }
.LBB2_2:
0xb6: {  	p3 =	sne.s32 s9, $0x1F0;
	s10 =	sor.u32 s10, s11;
	[tilespmem:s5+$0x5600] =	vst v4  }
0xb7: {  	v4 =	vld [tilespmem:s10+$0x0];
	_ =	sdelay $0x3  }
0xb8: {  	s8 =	sadd.s32 $0x10, s8  }
0xb9: {  	[tilespmem:s8+$0x0] =	vst v4  }
0xba: {  	v4 =	vld [tilespmem:s10+$0x80];
	_ =	sdelay $0x3  }
0xbb: {  	s5 =	sand.u32 $0x1F0, s18  }
0xbc: {  	[tilespmem:s5+$0x3200] =	vst v4  }
0xbd: {  	v4 =	vld [tilespmem:s10+$0x100];
	_ =	sdelay $0x4  }
0xbe: {  	[tilespmem:s5+$0x3400] =	vst v4  }
0xbf: {  	v4 =	vld [tilespmem:s10+$0x180];
	_ =	sdelay $0x4  }
0xc0: {  	[tilespmem:s5+$0x3600] =	vst v4  }
0xc1: {  	v4 =	vld [tilespmem:s10+$0x200];
	_ =	sdelay $0x4  }
0xc2: {  	[tilespmem:s5+$0x3800] =	vst v4  }
0xc3: {  	v4 =	vld [tilespmem:s10+$0x280];
	_ =	sdelay $0x4  }
0xc4: {  	[tilespmem:s5+$0x3A00] =	vst v4  }
0xc5: {  	v4 =	vld [tilespmem:s10+$0x300];
	_ =	sdelay $0x3  }
0xc6: {  	s11 =	sor.u32 s7, s18;
	s18 =	smov.u32 s9  }
0xc7: {  	s11 =	sor.u32 $0x380, s11;
	[tilespmem:s5+$0x3C00] =	vst v4  }
0xc8: {  	v4 =	vld [tilespmem:s11+$0x0];
	_ =	sdelay $0x4  }
0xc9: {  	[tilespmem:s5+$0x3E00] =	vst v4  }
0xca: {  	v4 =	vld [tilespmem:s10+$0x1000];
	_ =	sdelay $0x4  }
0xcb: {  	[tilespmem:s5+$0x4000] =	vst v4  }
0xcc: {  	v4 =	vld [tilespmem:s10+$0x1080];
	_ =	sdelay $0x4  }
0xcd: {  	[tilespmem:s5+$0x4200] =	vst v4  }
0xce: {  	v4 =	vld [tilespmem:s10+$0x1100];
	_ =	sdelay $0x4  }
0xcf: {  	[tilespmem:s5+$0x4400] =	vst v4  }
0xd0: {  	v4 =	vld [tilespmem:s10+$0x1180];
	_ =	sdelay $0x4  }
0xd1: {  	[tilespmem:s5+$0x4600] =	vst v4  }
0xd2: {  	v4 =	vld [tilespmem:s10+$0x1200];
	_ =	sdelay $0x4  }
0xd3: {  	[tilespmem:s5+$0x4800] =	vst v4  }
0xd4: {  	v4 =	vld [tilespmem:s10+$0x1280];
	_ =	sdelay $0x4  }
0xd5: {  	[tilespmem:s5+$0x4A00] =	vst v4  }
0xd6: {  	v4 =	vld [tilespmem:s10+$0x1300];
	_ =	sdelay $0x4  }
0xd7: {  	[tilespmem:s5+$0x4C00] =	vst v4  }
0xd8: {  	v4 =	vld [tilespmem:s10+$0x1380];
	_ =	sdelay $0x4  }
0xd9: {  	[tilespmem:s5+$0x4E00] =	vst v4  }
0xda: {  	v4 =	vld [tilespmem:s10+$0x2000];
	_ =	sdelay $0x4  }
0xdb: {  	[tilespmem:s5+$0x5000] =	vst v4  }
0xdc: {  	v4 =	vld [tilespmem:s10+$0x2080];
	_ =	sdelay $0x4  }
0xdd: {  	[tilespmem:s5+$0x5200] =	vst v4  }
0xde: {  	v4 =	vld [tilespmem:s10+$0x2100];
	_ =	sdelay $0x4  }
0xdf: {  	[tilespmem:s5+$0x5400] =	vst v4  }
.Ltmp2:
0xe0: {  	v4 =	vld [tilespmem:s10+$0x2180];
	(pc) =	sbr.rel @p3 .LBB2_2-.Ltmp2, $3  }
0xe1: {  	_ =	sdelay $0x1  }
0xe2: {  	s7 =	sadd.s32 $0x80, s7  }
0xe3: {  	s9 =	sadd.s32 $0x10, s9;
	s11 =	sand.u32 $0xC00, s7;
	s10 =	sand.u32 $0x70, s18  }
0xe4: {  	s9 =	sor.u32 s10, s11;
	[tilespmem:s5+$0x5600] =	vst v4  }
0xe5: {  	v4 =	vld [tilespmem:s9+$0x0];
	_ =	sdelay $0x3  }
0xe6: {  	s8 =	sadd.s32 $0x10, s8  }
0xe7: {  	[tilespmem:s8+$0x0] =	vst v4  }
0xe8: {  	v4 =	vld [tilespmem:s9+$0x80];
	_ =	sdelay $0x3  }
0xe9: {  	s10 =	sand.u32 $0x1F0, s18  }
0xea: {  	[tilespmem:s10+$0x3200] =	vst v4  }
0xeb: {  	v4 =	vld [tilespmem:s9+$0x100];
	_ =	sdelay $0x4  }
0xec: {  	[tilespmem:s10+$0x3400] =	vst v4  }
0xed: {  	v4 =	vld [tilespmem:s9+$0x180];
	_ =	sdelay $0x4  }
0xee: {  	[tilespmem:s10+$0x3600] =	vst v4  }
0xef: {  	v4 =	vld [tilespmem:s9+$0x200];
	_ =	sdelay $0x4  }
0xf0: {  	[tilespmem:s10+$0x3800] =	vst v4  }
0xf1: {  	v4 =	vld [tilespmem:s9+$0x280];
	_ =	sdelay $0x4  }
0xf2: {  	[tilespmem:s10+$0x3A00] =	vst v4  }
0xf3: {  	v4 =	vld [tilespmem:s9+$0x300];
	_ =	sdelay $0x3  }
0xf4: {  	s7 =	sor.u32 s7, s18  }
0xf5: {  	s7 =	sor.u32 $0x380, s7;
	[tilespmem:s10+$0x3C00] =	vst v4  }
0xf6: {  	v4 =	vld [tilespmem:s7+$0x0];
	_ =	sdelay $0x4  }
0xf7: {  	[tilespmem:s10+$0x3E00] =	vst v4  }
0xf8: {  	v4 =	vld [tilespmem:s9+$0x1000];
	_ =	sdelay $0x4  }
0xf9: {  	[tilespmem:s10+$0x4000] =	vst v4  }
0xfa: {  	v4 =	vld [tilespmem:s9+$0x1080];
	_ =	sdelay $0x4  }
0xfb: {  	[tilespmem:s10+$0x4200] =	vst v4  }
0xfc: {  	v4 =	vld [tilespmem:s9+$0x1100];
	_ =	sdelay $0x4  }
0xfd: {  	[tilespmem:s10+$0x4400] =	vst v4  }
0xfe: {  	v4 =	vld [tilespmem:s9+$0x1180];
	_ =	sdelay $0x4  }
0xff: {  	[tilespmem:s10+$0x4600] =	vst v4  }
0x100: {  	v4 =	vld [tilespmem:s9+$0x1200];
	_ =	sdelay $0x4  }
0x101: {  	[tilespmem:s10+$0x4800] =	vst v4  }
0x102: {  	v4 =	vld [tilespmem:s9+$0x1280];
	_ =	sdelay $0x4  }
0x103: {  	[tilespmem:s10+$0x4A00] =	vst v4  }
0x104: {  	v4 =	vld [tilespmem:s9+$0x1300];
	_ =	sdelay $0x4  }
0x105: {  	[tilespmem:s10+$0x4C00] =	vst v4  }
0x106: {  	v4 =	vld [tilespmem:s9+$0x1380];
	_ =	sdelay $0x4  }
0x107: {  	[tilespmem:s10+$0x4E00] =	vst v4  }
0x108: {  	v4 =	vld [tilespmem:s9+$0x2000];
	_ =	sdelay $0x4  }
0x109: {  	[tilespmem:s10+$0x5000] =	vst v4  }
0x10a: {  	v4 =	vld [tilespmem:s9+$0x2080];
	_ =	sdelay $0x4  }
0x10b: {  	[tilespmem:s10+$0x5200] =	vst v4  }
0x10c: {  	v4 =	vld [tilespmem:s9+$0x2100];
	_ =	sdelay $0x4  }
0x10d: {  	[tilespmem:s10+$0x5400] =	vst v4  }
0x10e: {  	v4 =	vld [tilespmem:s9+$0x2180];
	_ =	sdelay $0x4  }
0x10f: {  	[tilespmem:s10+$0x5600] =	vst v4  }
0x110: {  	[hbm4b:s6+s4] =	stream.linear.scatter [tilespmem:s20], [sflag:$0x1], $0x200, $0x38;
	[tilespmem:$0x15280] =	vst v63  }
0x111: {  	s11 =	rddreg [dreg:$0xa];
	s18 =	simm.s32 $0x3200  }
0x112: {  	[hbm4b:s11+s4] =	stream.linear.scatter [tilespmem:s18], [sflag:$0x1], $0x200, $0x38;
	[tilespmem:$0x15280] =	vst v63  }
0x113: {  	s8 =	simm.s32 $0x3400;
	s7 =	rddreg [dreg:$0xb]  }
0x114: {  	[hbm4b:s7+s4] =	stream.linear.scatter [tilespmem:s8], [sflag:$0x1], $0x200, $0x38;
	[tilespmem:$0x15280] =	vst v63  }
0x115: {  	s9 =	rddreg [dreg:$0xc];
	s10 =	simm.s32 $0x3600  }
0x116: {  	[hbm4b:s9+s4] =	stream.linear.scatter [tilespmem:s10], [sflag:$0x1], $0x200, $0x38;
	[tilespmem:$0x15280] =	vst v63  }
0x117: {  	s11 =	rddreg [dreg:$0xd];
	s18 =	simm.s32 $0x3800  }
0x118: {  	[hbm4b:s11+s4] =	stream.linear.scatter [tilespmem:s18], [sflag:$0x1], $0x200, $0x38;
	[tilespmem:$0x15280] =	vst v63  }
0x119: {  	s8 =	rddreg [dreg:$0xe];
	s9 =	simm.s32 $0x3A00  }
0x11a: {  	[hbm4b:s8+s4] =	stream.linear.scatter [tilespmem:s9], [sflag:$0x1], $0x200, $0x38;
	[tilespmem:$0x15280] =	vst v63  }
0x11b: {  	s10 =	simm.s32 $0x3C00  }
0x11c: {  	[hbm4b:s12+s4] =	stream.linear.scatter [tilespmem:s10], [sflag:$0x1], $0x200, $0x38;
	[tilespmem:$0x15280] =	vst v63  }
0x11d: {  	s11 =	simm.s32 $0x3E00  }
0x11e: {  	[hbm4b:s13+s4] =	stream.linear.scatter [tilespmem:s11], [sflag:$0x1], $0x200, $0x38;
	[tilespmem:$0x15280] =	vst v63  }
0x11f: {  	s18 =	simm.s32 $0x4000  }
0x120: {  	[hbm4b:s14+s4] =	stream.linear.scatter [tilespmem:s18], [sflag:$0x1], $0x200, $0x38;
	[tilespmem:$0x15280] =	vst v63  }
0x121: {  	s7 =	simm.s32 $0x4200  }
0x122: {  	[hbm4b:s15+s4] =	stream.linear.scatter [tilespmem:s7], [sflag:$0x1], $0x200, $0x38;
	[tilespmem:$0x15280] =	vst v63  }
0x123: {  	s8 =	simm.s32 $0x4400  }
0x124: {  	[hbm4b:s16+s4] =	stream.linear.scatter [tilespmem:s8], [sflag:$0x1], $0x200, $0x38;
	[tilespmem:$0x15280] =	vst v63  }
0x125: {  	s9 =	simm.s32 $0x4600  }
0x126: {  	[hbm4b:s26+s4] =	stream.linear.scatter [tilespmem:s9], [sflag:$0x1], $0x200, $0x38;
	[tilespmem:$0x15280] =	vst v63  }
0x127: {  	s10 =	simm.s32 $0x4800  }
0x128: {  	[hbm4b:s28+s4] =	stream.linear.scatter [tilespmem:s10], [sflag:$0x1], $0x200, $0x38;
	[tilespmem:$0x15280] =	vst v63  }
0x129: {  	s11 =	simm.s32 $0x4A00  }
0x12a: {  	[hbm4b:s29+s4] =	stream.linear.scatter [tilespmem:s11], [sflag:$0x1], $0x200, $0x38;
	[tilespmem:$0x15280] =	vst v63  }
0x12b: {  	s18 =	simm.s32 $0x4C00  }
0x12c: {  	[hbm4b:s30+s4] =	stream.linear.scatter [tilespmem:s18], [sflag:$0x1], $0x200, $0x38;
	[tilespmem:$0x15280] =	vst v63  }
0x12d: {  	s7 =	simm.s32 $0x4E00  }
0x12e: {  	[hbm4b:s31+s4] =	stream.linear.scatter [tilespmem:s7], [sflag:$0x1], $0x200, $0x38;
	[tilespmem:$0x15280] =	vst v63  }
0x12f: {  	s8 =	simm.s32 $0x5000  }
0x130: {  	[hbm4b:s0+s4] =	stream.linear.scatter [tilespmem:s8], [sflag:$0x1], $0x200, $0x38;
	[tilespmem:$0x15280] =	vst v63  }
0x131: {  	s9 =	simm.s32 $0x5200  }
0x132: {  	[hbm4b:s3+s4] =	stream.linear.scatter [tilespmem:s9], [sflag:$0x1], $0x200, $0x38;
	[tilespmem:$0x15280] =	vst v63  }
.Ltmp3:
0x133: {  	_ = 	snop;
	(pc) =	sbr.rel @!p0 .LBB2_4-.Ltmp3, $4  }
0x134: {  	s10 =	simm.s32 $0x5400;
	s18 =	simm.s32 $0x0  }
0x135: {  	[hbm4b:s1+s4] =	stream.linear.scatter [tilespmem:s10], [sflag:$0x1], $0x200, $0x38;
	[tilespmem:$0x15280] =	vst v63  }
0x136: {  	s11 =	simm.s32 $0x5600;
	v4 =	vmov s18;
	v5 =	vor.u32 s18, v0  }
0x137: {  	v4 =	vshll.u32 v4, $0x3;
	v5 =	vand.u32 $0x71, v5;
	[hbm4b:s2+s4] =	stream.linear.scatter [tilespmem:s11], [sflag:$0x1], $0x200, $0x38;
	[tilespmem:$0x15280] =	vst v63  }
0x138: {  	v4 =	vand.u32 $0x1C00, v4  }
0x139: {  	v4 =	vor.u32 v5, v4  }
0x13a: {  	s5 =	rddreg [dreg:$0x11];
	s10 =	simm.s32 $0x2;
	v4 =	vor.u32 v1, v4  }
0x13b: {  	[tilespmem:s17], [sflag:$0x2] =	stream.linear.gather [hbm4b:s5+s4], $0x1800, $0x38;
	[tilespmem:$0x15280] =	vst v63  }
0x13c: {  	v5 =	vmov s10;
	_ =	swait.ge [sflag:s19], $0x1800  }
0x13d: {  	v6 =	vor.u32 s10, v0;
	v5 =	vshll.u32 v5, $0x3;
	[sflag:s19] =	ssyncset.done $0x0  }
0x13e: {  	v6 =	vand.u32 $0x73, v6;
	v5 =	vand.u32 $0x1C00, v5;
	[sflag:s19] =	ssyncadd.s32 $0xFFFFE800  }
0x13f: {  	v5 =	vor.u32 v6, v5;
	v4 =	vld.idx.msk [tilespmem:v4+s17+$0x0], $0xffff  }
0x140: {  	v5 =	vor.u32 v1, v5  }
0x141: {  	s11 =	simm.s32 $0x4  }
0x142: {  	v6 =	vmov s11  }
0x143: {  	s18 =	simm.s32 $0xBC40;
	v7 =	vor.u32 s11, v0;
	v6 =	vshll.u32 v6, $0x3  }
0x144: {  	v6 =	vand.u32 $0x1C00, v6;
	[tilespmem:s18+$0xFFFFFFC0] =	vst v4;
	v4 =	vand.u32 $0x75, v7  }
0x145: {  	v5 =	vld.idx.msk [tilespmem:v5+s17+$0x0], $0xffff;
	v4 =	vor.u32 v4, v6  }
0x146: {  	v4 =	vor.u32 v1, v4  }
0x147: {  	s7 =	simm.s32 $0x6  }
0x148: {  	v6 =	vmov s7  }
0x149: {  	v7 =	vor.u32 s7, v0;
	v6 =	vshll.u32 v6, $0x3  }
0x14a: {  	v6 =	vand.u32 $0x1C00, v6;
	[tilespmem:s18+$0xFFFFFFD0] =	vst v5;
	v5 =	vand.u32 $0x77, v7  }
0x14b: {  	v4 =	vld.idx.msk [tilespmem:v4+s17+$0x0], $0xffff;
	v5 =	vor.u32 v5, v6  }
0x14c: {  	v5 =	vor.u32 v1, v5  }
0x14d: {  	s8 =	simm.s32 $0x8  }
0x14e: {  	v6 =	vmov s8  }
0x14f: {  	v7 =	vor.u32 s8, v0;
	v6 =	vshll.u32 v6, $0x3  }
0x150: {  	v6 =	vand.u32 $0x1C00, v6;
	[tilespmem:s18+$0xFFFFFFE0] =	vst v4;
	v4 =	vand.u32 $0x79, v7  }
0x151: {  	v5 =	vld.idx.msk [tilespmem:v5+s17+$0x0], $0xffff;
	v4 =	vor.u32 v4, v6  }
0x152: {  	v4 =	vor.u32 v1, v4  }
0x153: {  	s9 =	simm.s32 $0xA  }
0x154: {  	v6 =	vmov s9  }
0x155: {  	v7 =	vor.u32 s9, v0;
	v6 =	vshll.u32 v6, $0x3  }
0x156: {  	v6 =	vand.u32 $0x1C00, v6;
	[tilespmem:s18+$0xFFFFFFF0] =	vst v5;
	v5 =	vand.u32 $0x7B, v7  }
0x157: {  	v4 =	vld.idx.msk [tilespmem:v4+s17+$0x0], $0xffff;
	v5 =	vor.u32 v5, v6  }
0x158: {  	v5 =	vor.u32 v1, v5  }
0x159: {  	s10 =	simm.s32 $0xC  }
0x15a: {  	v6 =	vmov s10  }
0x15b: {  	v7 =	vor.u32 s10, v0;
	v6 =	vshll.u32 v6, $0x3  }
0x15c: {  	v6 =	vand.u32 $0x1C00, v6;
	[tilespmem:s18+$0x0] =	vst v4;
	v4 =	vand.u32 $0x7D, v7  }
0x15d: {  	v5 =	vld.idx.msk [tilespmem:v5+s17+$0x0], $0xffff;
	v4 =	vor.u32 v4, v6  }
0x15e: {  	v4 =	vor.u32 v1, v4  }
0x15f: {  	s11 =	simm.s32 $0xE  }
0x160: {  	v6 =	vmov s11  }
0x161: {  	v7 =	vor.u32 s11, v0;
	v6 =	vshll.u32 v6, $0x3  }
0x162: {  	v7 =	vand.u32 $0x7F, v7;
	v6 =	vand.u32 $0x1C00, v6;
	[tilespmem:s18+$0x10] =	vst v5  }
0x163: {  	v5 =	vor.u32 v7, v6;
	v4 =	vld.idx.msk [tilespmem:v4+s17+$0x0], $0xffff  }
0x164: {  	v5 =	vor.u32 v1, v5;
	_ =	sdelay $0x1  }
0x165: {  	s5 =	simm.s32 $0x1E;
	s7 =	simm.s32 $0x2E;
	s8 =	simm.s32 $0x10  }
.LBB2_8:
0x166: {  	p3 =	sne.s32 s7, $0x2FE;
	v6 =	vmov s8  }
0x167: {  	v7 =	vor.u32 s8, v0;
	v6 =	vshll.u32 v6, $0x3;
	[tilespmem:s18+$0x20] =	vst v4  }
0x168: {  	v4 =	vand.u32 $0x71, v7;
	v6 =	vand.u32 $0x1C00, v6;
	v5 =	vld.idx.msk [tilespmem:v5+s17+$0x0], $0xffff  }
0x169: {  	v4 =	vor.u32 v4, v6  }
0x16a: {  	v4 =	vor.u32 v1, v4;
	_ =	sdelay $0x1  }
0x16b: {  	s8 =	sadd.s32 $0xFFFFFFF4, s5  }
0x16c: {  	v6 =	vmov s8  }
0x16d: {  	v7 =	vor.u32 s8, v0;
	v6 =	vshll.u32 v6, $0x3;
	[tilespmem:s18+$0x30] =	vst v5  }
0x16e: {  	v6 =	vand.u32 $0x1C00, v6;
	v5 =	vand.u32 $0x73, v7;
	v4 =	vld.idx.msk [tilespmem:v4+s17+$0x0], $0xffff  }
0x16f: {  	v5 =	vor.u32 v5, v6  }
0x170: {  	v5 =	vor.u32 v1, v5;
	_ =	sdelay $0x1  }
0x171: {  	s8 =	sadd.s32 $0xFFFFFFF6, s5  }
0x172: {  	s18 =	sadd.s32 $0x80, s18;
	v6 =	vmov s8  }
0x173: {  	v6 =	vshll.u32 v6, $0x3;
	[tilespmem:s18+$0xFFFFFFC0] =	vst v4;
	v4 =	vor.u32 s8, v0  }
0x174: {  	v6 =	vand.u32 $0x1C00, v6;
	v5 =	vld.idx.msk [tilespmem:v5+s17+$0x0], $0xffff;
	v4 =	vand.u32 $0x75, v4  }
0x175: {  	v4 =	vor.u32 v4, v6  }
0x176: {  	v4 =	vor.u32 v1, v4;
	_ =	sdelay $0x1  }
0x177: {  	s8 =	sadd.s32 $0xFFFFFFF8, s5  }
0x178: {  	v6 =	vmov s8  }
0x179: {  	v6 =	vshll.u32 v6, $0x3;
	[tilespmem:s18+$0xFFFFFFD0] =	vst v5;
	v5 =	vor.u32 s8, v0  }
0x17a: {  	v6 =	vand.u32 $0x1C00, v6;
	v4 =	vld.idx.msk [tilespmem:v4+s17+$0x0], $0xffff;
	v5 =	vand.u32 $0x77, v5  }
0x17b: {  	v5 =	vor.u32 v5, v6  }
0x17c: {  	v5 =	vor.u32 v1, v5;
	_ =	sdelay $0x1  }
0x17d: {  	s8 =	sadd.s32 $0xFFFFFFFA, s5  }
0x17e: {  	v6 =	vmov s8  }
0x17f: {  	v6 =	vshll.u32 v6, $0x3;
	[tilespmem:s18+$0xFFFFFFE0] =	vst v4;
	v4 =	vor.u32 s8, v0  }
0x180: {  	v6 =	vand.u32 $0x1C00, v6;
	v5 =	vld.idx.msk [tilespmem:v5+s17+$0x0], $0xffff;
	v4 =	vand.u32 $0x79, v4  }
0x181: {  	v4 =	vor.u32 v4, v6  }
0x182: {  	v4 =	vor.u32 v1, v4;
	_ =	sdelay $0x1  }
0x183: {  	s8 =	sadd.s32 $0xFFFFFFFC, s5  }
0x184: {  	v6 =	vmov s8  }
0x185: {  	v6 =	vshll.u32 v6, $0x3;
	[tilespmem:s18+$0xFFFFFFF0] =	vst v5;
	v5 =	vor.u32 s8, v0  }
0x186: {  	v6 =	vand.u32 $0x1C00, v6;
	v4 =	vld.idx.msk [tilespmem:v4+s17+$0x0], $0xffff;
	v5 =	vand.u32 $0x7B, v5  }
0x187: {  	v5 =	vor.u32 v5, v6  }
0x188: {  	v5 =	vor.u32 v1, v5;
	_ =	sdelay $0x1  }
0x189: {  	s8 =	sadd.s32 $0xFFFFFFFE, s5  }
0x18a: {  	v6 =	vmov s8  }
0x18b: {  	v6 =	vshll.u32 v6, $0x3;
	[tilespmem:s18+$0x0] =	vst v4;
	v4 =	vor.u32 s8, v0  }
0x18c: {  	v6 =	vand.u32 $0x1C00, v6;
	v5 =	vld.idx.msk [tilespmem:v5+s17+$0x0], $0xffff;
	v4 =	vand.u32 $0x7D, v4  }
0x18d: {  	v4 =	vor.u32 v4, v6  }
0x18e: {  	v4 =	vor.u32 v1, v4;
	_ =	sdelay $0x2  }
0x18f: {  	v6 =	vmov s5  }
0x190: {  	v6 =	vshll.u32 v6, $0x3;
	[tilespmem:s18+$0x10] =	vst v5;
	v5 =	vor.u32 s5, v0;
	s5 =	smov.u32 s7  }
.Ltmp4:
0x191: {  	v6 =	vand.u32 $0x1C00, v6;
	v4 =	vld.idx.msk [tilespmem:v4+s17+$0x0], $0xffff;
	v5 =	vand.u32 $0x7F, v5;
	(pc) =	sbr.rel @p3 .LBB2_8-.Ltmp4, $3  }
0x192: {  	v5 =	vor.u32 v5, v6  }
0x193: {  	v5 =	vor.u32 v1, v5;
	_ =	sdelay $0x1  }
0x194: {  	s7 =	sadd.s32 $0x10, s7;
	s8 =	sadd.s32 $0xFFFFFFF2, s5  }
0x195: {  	_ = 	snop  }
0x196: {  	v6 =	vmov s8  }
0x197: {  	v7 =	vor.u32 s8, v0;
	v6 =	vshll.u32 v6, $0x3  }
0x198: {  	[tilespmem:s18+$0x20] =	vst v4;
	v4 =	vand.u32 $0x71, v7;
	v6 =	vand.u32 $0x1C00, v6  }
0x199: {  	v5 =	vld.idx.msk [tilespmem:v5+s17+$0x0], $0xffff;
	v4 =	vor.u32 v4, v6  }
0x19a: {  	v4 =	vor.u32 v1, v4  }
0x19b: {  	s7 =	sadd.s32 $0xFFFFFFF4, s5  }
0x19c: {  	v50 =	vmov s7  }
0x19d: {  	v51 =	vor.u32 s7, v0;
	v6 =	vshll.u32 v50, $0x3  }
0x19e: {  	v6 =	vand.u32 $0x1C00, v6;
	[tilespmem:s18+$0x30] =	vst v5;
	v5 =	vand.u32 $0x73, v51  }
0x19f: {  	v5 =	vor.u32 v5, v6;
	v4 =	vld.idx.msk [tilespmem:v4+s17+$0x0], $0xffff  }
0x1a0: {  	v5 =	vor.u32 v1, v5  }
0x1a1: {  	s11 =	sadd.s32 $0xFFFFFFF6, s5  }
0x1a2: {  	v52 =	vmov s11  }
0x1a3: {  	s8 =	sadd.s32 $0x80, s18;
	v53 =	vor.u32 s11, v0;
	v6 =	vshll.u32 v52, $0x3  }
0x1a4: {  	v6 =	vand.u32 $0x1C00, v6;
	[tilespmem:s8+$0xFFFFFFC0] =	vst v4;
	v4 =	vand.u32 $0x75, v53  }
0x1a5: {  	v5 =	vld.idx.msk [tilespmem:v5+s17+$0x0], $0xffff;
	v4 =	vor.u32 v4, v6  }
0x1a6: {  	v4 =	vor.u32 v1, v4  }
0x1a7: {  	s9 =	sadd.s32 $0xFFFFFFF8, s5  }
0x1a8: {  	v54 =	vmov s9  }
0x1a9: {  	v55 =	vor.u32 s9, v0;
	v6 =	vshll.u32 v54, $0x3  }
0x1aa: {  	v6 =	vand.u32 $0x1C00, v6;
	[tilespmem:s8+$0xFFFFFFD0] =	vst v5;
	v5 =	vand.u32 $0x77, v55  }
0x1ab: {  	v4 =	vld.idx.msk [tilespmem:v4+s17+$0x0], $0xffff;
	v5 =	vor.u32 v5, v6  }
0x1ac: {  	v5 =	vor.u32 v1, v5  }
0x1ad: {  	s10 =	sadd.s32 $0xFFFFFFFA, s5  }
0x1ae: {  	v56 =	vmov s10  }
0x1af: {  	v57 =	vor.u32 s10, v0;
	v6 =	vshll.u32 v56, $0x3  }
0x1b0: {  	v6 =	vand.u32 $0x1C00, v6;
	[tilespmem:s8+$0xFFFFFFE0] =	vst v4;
	v4 =	vand.u32 $0x79, v57  }
0x1b1: {  	v5 =	vld.idx.msk [tilespmem:v5+s17+$0x0], $0xffff;
	v4 =	vor.u32 v4, v6  }
0x1b2: {  	v4 =	vor.u32 v1, v4  }
0x1b3: {  	s11 =	sadd.s32 $0xFFFFFFFC, s5  }
0x1b4: {  	v58 =	vmov s11  }
0x1b5: {  	v59 =	vor.u32 s11, v0;
	v6 =	vshll.u32 v58, $0x3  }
0x1b6: {  	v6 =	vand.u32 $0x1C00, v6;
	[tilespmem:s8+$0xFFFFFFF0] =	vst v5;
	v5 =	vand.u32 $0x7B, v59  }
0x1b7: {  	v4 =	vld.idx.msk [tilespmem:v4+s17+$0x0], $0xffff;
	v5 =	vor.u32 v5, v6  }
0x1b8: {  	v5 =	vor.u32 v1, v5  }
0x1b9: {  	s18 =	sadd.s32 $0xFFFFFFFE, s5  }
0x1ba: {  	v60 =	vmov s18  }
0x1bb: {  	v61 =	vor.u32 s18, v0;
	v6 =	vshll.u32 v60, $0x3  }
0x1bc: {  	v6 =	vand.u32 $0x1C00, v6;
	[tilespmem:s8+$0x0] =	vst v4;
	v4 =	vand.u32 $0x7D, v61  }
0x1bd: {  	v5 =	vld.idx.msk [tilespmem:v5+s17+$0x0], $0xffff;
	v4 =	vor.u32 v4, v6  }
0x1be: {  	v4 =	vor.u32 v1, v4;
	_ =	sdelay $0x1  }
0x1bf: {  	v62 =	vmov s5  }
0x1c0: {  	v63 =	vor.u32 s5, v0;
	v6 =	vshll.u32 v62, $0x3  }
0x1c1: {  	v6 =	vand.u32 $0x1C00, v6;
	[tilespmem:s8+$0x10] =	vst v5;
	v5 =	vand.u32 $0x7F, v63  }
0x1c2: {  	v4 =	vld.idx.msk [tilespmem:v4+s17+$0x0], $0xffff;
	v5 =	vor.u32 v5, v6  }
0x1c3: {  	v5 =	vor.u32 v1, v5;
	_ =	sdelay $0x3  }
0x1c4: {  	[tilespmem:s8+$0x20] =	vst v4  }
0x1c5: {  	v4 =	vld.idx.msk [tilespmem:v5+s17+$0x0], $0xffff;
	_ =	sdelay $0x4  }
0x1c6: {  	s9 =	simm.s32 $0xBC00;
	[tilespmem:s8+$0x30] =	vst v4;
	s8 =	rddreg [dreg:$0x13]  }
0x1c7: {  	[hbm4b:s8+s4] =	stream.linear.scatter [tilespmem:s9], [sflag:$0x2], $0x1800, $0x38;
	[tilespmem:$0x15280] =	vst v63  }
0x1c8: {  	_ =	swait.ge [sflag:s19], $0x1800  }
0x1c9: {  	[sflag:s19] =	ssyncset.done $0x0  }
0x1ca: {  	[sflag:s19] =	ssyncadd.s32 $0xFFFFE800  }
0x1cb: {  	s11 =	simm.s32 $0x15000;
	s10 =	rddreg [dreg:$0x3]  }
0x1cc: {  	[tilespmem:s11], [sflag:$0x2] =	stream.linear.gather [hbm4b:s10+s4], $0x180, $0x38;
	[tilespmem:$0x15280] =	vst v63  }
0x1cd: {  	_ =	swait.ge [sflag:s19], $0x180  }
0x1ce: {  	[sflag:s19] =	ssyncset.done $0x0  }
.Ltmp5:
0x1cf: {  	s18 =	rddreg [dreg:$0x14];
	[sflag:s19] =	ssyncadd.s32 $0xFFFFFE80;
	(pc) =	sbr.rel .LBB2_10-.Ltmp5, $4  }
0x1d0: {  	[hbm4b:s18+s4] =	stream.linear.scatter [tilespmem:s11], [sflag:$0x2], $0x108, $0x38;
	[tilespmem:$0x15280] =	vst v63  }
0x1d1: {  	_ =	swait.ge [sflag:s19], $0x108  }
0x1d2: {  	[sflag:s19] =	ssyncset.done $0x0  }
0x1d3: {  	[sflag:s19] =	ssyncadd.s32 $0xFFFFFEF8  }
.LBB2_4:
0x1d4: {  	v4 =	vand.u32 $0x7C00, v4  }
0x1d5: {  	v4 =	vor.u32 v5, v4  }
0x1d6: {  	s5 =	rddreg [dreg:$0xf];
	s10 =	simm.s32 $0x2;
	v4 =	vor.u32 v1, v4  }
0x1d7: {  	[tilespmem:s17], [sflag:$0x2] =	stream.linear.gather [hbm4b:s5+s4], $0x6400, $0x38;
	[tilespmem:$0x15280] =	vst v63  }
0x1d8: {  	v5 =	vmov s10;
	_ =	swait.ge [sflag:s19], $0x6400  }
0x1d9: {  	v6 =	vor.u32 s10, v0;
	v5 =	vshll.u32 v5, $0x3;
	[sflag:s19] =	ssyncset.done $0x0  }
0x1da: {  	v6 =	vand.u32 $0x73, v6;
	v5 =	vand.u32 $0x7C00, v5;
	[sflag:s19] =	ssyncadd.s32 $0xFFFF9C00  }
0x1db: {  	v5 =	vor.u32 v6, v5;
	v4 =	vld.idx.msk [tilespmem:v4+s17+$0x0], $0xffff  }
0x1dc: {  	v5 =	vor.u32 v1, v5  }
0x1dd: {  	s11 =	simm.s32 $0x4  }
0x1de: {  	v6 =	vmov s11  }
0x1df: {  	s18 =	simm.s32 $0xBC40;
	v7 =	vor.u32 s11, v0;
	v6 =	vshll.u32 v6, $0x3  }
0x1e0: {  	v6 =	vand.u32 $0x7C00, v6;
	[tilespmem:s18+$0xFFFFFFC0] =	vst v4;
	v4 =	vand.u32 $0x75, v7  }
0x1e1: {  	v5 =	vld.idx.msk [tilespmem:v5+s17+$0x0], $0xffff;
	v4 =	vor.u32 v4, v6  }
0x1e2: {  	v4 =	vor.u32 v1, v4  }
0x1e3: {  	s7 =	simm.s32 $0x6  }
0x1e4: {  	v6 =	vmov s7  }
0x1e5: {  	v7 =	vor.u32 s7, v0;
	v6 =	vshll.u32 v6, $0x3  }
0x1e6: {  	v6 =	vand.u32 $0x7C00, v6;
	[tilespmem:s18+$0xFFFFFFD0] =	vst v5;
	v5 =	vand.u32 $0x77, v7  }
0x1e7: {  	v4 =	vld.idx.msk [tilespmem:v4+s17+$0x0], $0xffff;
	v5 =	vor.u32 v5, v6  }
0x1e8: {  	v5 =	vor.u32 v1, v5  }
0x1e9: {  	s8 =	simm.s32 $0x8  }
0x1ea: {  	v6 =	vmov s8  }
0x1eb: {  	v7 =	vor.u32 s8, v0;
	v6 =	vshll.u32 v6, $0x3  }
0x1ec: {  	v6 =	vand.u32 $0x7C00, v6;
	[tilespmem:s18+$0xFFFFFFE0] =	vst v4;
	v4 =	vand.u32 $0x79, v7  }
0x1ed: {  	v5 =	vld.idx.msk [tilespmem:v5+s17+$0x0], $0xffff;
	v4 =	vor.u32 v4, v6  }
0x1ee: {  	v4 =	vor.u32 v1, v4  }
0x1ef: {  	s9 =	simm.s32 $0xA  }
0x1f0: {  	v6 =	vmov s9  }
0x1f1: {  	v7 =	vor.u32 s9, v0;
	v6 =	vshll.u32 v6, $0x3  }
0x1f2: {  	v6 =	vand.u32 $0x7C00, v6;
	[tilespmem:s18+$0xFFFFFFF0] =	vst v5;
	v5 =	vand.u32 $0x7B, v7  }
0x1f3: {  	v4 =	vld.idx.msk [tilespmem:v4+s17+$0x0], $0xffff;
	v5 =	vor.u32 v5, v6  }
0x1f4: {  	v5 =	vor.u32 v1, v5  }
0x1f5: {  	s10 =	simm.s32 $0xC  }
0x1f6: {  	v6 =	vmov s10  }
0x1f7: {  	v7 =	vor.u32 s10, v0;
	v6 =	vshll.u32 v6, $0x3  }
0x1f8: {  	v6 =	vand.u32 $0x7C00, v6;
	[tilespmem:s18+$0x0] =	vst v4;
	v4 =	vand.u32 $0x7D, v7  }
0x1f9: {  	v5 =	vld.idx.msk [tilespmem:v5+s17+$0x0], $0xffff;
	v4 =	vor.u32 v4, v6  }
0x1fa: {  	v4 =	vor.u32 v1, v4  }
0x1fb: {  	s11 =	simm.s32 $0xE  }
0x1fc: {  	v6 =	vmov s11  }
0x1fd: {  	v7 =	vor.u32 s11, v0;
	v6 =	vshll.u32 v6, $0x3  }
0x1fe: {  	v7 =	vand.u32 $0x7F, v7;
	v6 =	vand.u32 $0x7C00, v6;
	[tilespmem:s18+$0x10] =	vst v5  }
0x1ff: {  	v5 =	vor.u32 v7, v6;
	v4 =	vld.idx.msk [tilespmem:v4+s17+$0x0], $0xffff  }
0x200: {  	v5 =	vor.u32 v1, v5;
	_ =	sdelay $0x1  }
0x201: {  	s5 =	simm.s32 $0x1E;
	s7 =	simm.s32 $0x2E;
	s8 =	simm.s32 $0x10  }
.LBB2_5:
0x202: {  	p3 =	sne.s32 s7, $0xC7E;
	v6 =	vmov s8  }
0x203: {  	v7 =	vor.u32 s8, v0;
	v6 =	vshll.u32 v6, $0x3;
	[tilespmem:s18+$0x20] =	vst v4  }
0x204: {  	v4 =	vand.u32 $0x71, v7;
	v6 =	vand.u32 $0x7C00, v6;
	v5 =	vld.idx.msk [tilespmem:v5+s17+$0x0], $0xffff  }
0x205: {  	v4 =	vor.u32 v4, v6  }
0x206: {  	v4 =	vor.u32 v1, v4;
	_ =	sdelay $0x1  }
0x207: {  	s8 =	sadd.s32 $0xFFFFFFF4, s5  }
0x208: {  	v6 =	vmov s8  }
0x209: {  	v7 =	vor.u32 s8, v0;
	v6 =	vshll.u32 v6, $0x3;
	[tilespmem:s18+$0x30] =	vst v5  }
0x20a: {  	v6 =	vand.u32 $0x7C00, v6;
	v5 =	vand.u32 $0x73, v7;
	v4 =	vld.idx.msk [tilespmem:v4+s17+$0x0], $0xffff  }
0x20b: {  	v5 =	vor.u32 v5, v6  }
0x20c: {  	v5 =	vor.u32 v1, v5;
	_ =	sdelay $0x1  }
0x20d: {  	s8 =	sadd.s32 $0xFFFFFFF6, s5  }
0x20e: {  	s18 =	sadd.s32 $0x80, s18;
	v6 =	vmov s8  }
0x20f: {  	v6 =	vshll.u32 v6, $0x3;
	[tilespmem:s18+$0xFFFFFFC0] =	vst v4;
	v4 =	vor.u32 s8, v0  }
0x210: {  	v6 =	vand.u32 $0x7C00, v6;
	v5 =	vld.idx.msk [tilespmem:v5+s17+$0x0], $0xffff;
	v4 =	vand.u32 $0x75, v4  }
0x211: {  	v4 =	vor.u32 v4, v6  }
0x212: {  	v4 =	vor.u32 v1, v4;
	_ =	sdelay $0x1  }
0x213: {  	s8 =	sadd.s32 $0xFFFFFFF8, s5  }
0x214: {  	v6 =	vmov s8  }
0x215: {  	v6 =	vshll.u32 v6, $0x3;
	[tilespmem:s18+$0xFFFFFFD0] =	vst v5;
	v5 =	vor.u32 s8, v0  }
0x216: {  	v6 =	vand.u32 $0x7C00, v6;
	v4 =	vld.idx.msk [tilespmem:v4+s17+$0x0], $0xffff;
	v5 =	vand.u32 $0x77, v5  }
0x217: {  	v5 =	vor.u32 v5, v6  }
0x218: {  	v5 =	vor.u32 v1, v5;
	_ =	sdelay $0x1  }
0x219: {  	s8 =	sadd.s32 $0xFFFFFFFA, s5  }
0x21a: {  	v6 =	vmov s8  }
0x21b: {  	v6 =	vshll.u32 v6, $0x3;
	[tilespmem:s18+$0xFFFFFFE0] =	vst v4;
	v4 =	vor.u32 s8, v0  }
0x21c: {  	v6 =	vand.u32 $0x7C00, v6;
	v5 =	vld.idx.msk [tilespmem:v5+s17+$0x0], $0xffff;
	v4 =	vand.u32 $0x79, v4  }
0x21d: {  	v4 =	vor.u32 v4, v6  }
0x21e: {  	v4 =	vor.u32 v1, v4;
	_ =	sdelay $0x1  }
0x21f: {  	s8 =	sadd.s32 $0xFFFFFFFC, s5  }
0x220: {  	v6 =	vmov s8  }
0x221: {  	v6 =	vshll.u32 v6, $0x3;
	[tilespmem:s18+$0xFFFFFFF0] =	vst v5;
	v5 =	vor.u32 s8, v0  }
0x222: {  	v6 =	vand.u32 $0x7C00, v6;
	v4 =	vld.idx.msk [tilespmem:v4+s17+$0x0], $0xffff;
	v5 =	vand.u32 $0x7B, v5  }
0x223: {  	v5 =	vor.u32 v5, v6  }
0x224: {  	v5 =	vor.u32 v1, v5;
	_ =	sdelay $0x1  }
0x225: {  	s8 =	sadd.s32 $0xFFFFFFFE, s5  }
0x226: {  	v6 =	vmov s8  }
0x227: {  	v6 =	vshll.u32 v6, $0x3;
	[tilespmem:s18+$0x0] =	vst v4;
	v4 =	vor.u32 s8, v0  }
0x228: {  	v6 =	vand.u32 $0x7C00, v6;
	v5 =	vld.idx.msk [tilespmem:v5+s17+$0x0], $0xffff;
	v4 =	vand.u32 $0x7D, v4  }
0x229: {  	v4 =	vor.u32 v4, v6  }
0x22a: {  	v4 =	vor.u32 v1, v4;
	_ =	sdelay $0x2  }
0x22b: {  	v6 =	vmov s5  }
0x22c: {  	v6 =	vshll.u32 v6, $0x3;
	[tilespmem:s18+$0x10] =	vst v5;
	v5 =	vor.u32 s5, v0;
	s5 =	smov.u32 s7  }
.Ltmp6:
0x22d: {  	v6 =	vand.u32 $0x7C00, v6;
	v4 =	vld.idx.msk [tilespmem:v4+s17+$0x0], $0xffff;
	v5 =	vand.u32 $0x7F, v5;
	(pc) =	sbr.rel @p3 .LBB2_5-.Ltmp6, $3  }
0x22e: {  	v5 =	vor.u32 v5, v6  }
0x22f: {  	v5 =	vor.u32 v1, v5;
	_ =	sdelay $0x1  }
0x230: {  	s7 =	sadd.s32 $0x10, s7;
	s8 =	sadd.s32 $0xFFFFFFF2, s5  }
0x231: {  	_ = 	snop  }
0x232: {  	v6 =	vmov s8  }
0x233: {  	v7 =	vor.u32 s8, v0;
	v6 =	vshll.u32 v6, $0x3  }
0x234: {  	[tilespmem:s18+$0x20] =	vst v4;
	v4 =	vand.u32 $0x71, v7;
	v6 =	vand.u32 $0x7C00, v6  }
0x235: {  	v5 =	vld.idx.msk [tilespmem:v5+s17+$0x0], $0xffff;
	v4 =	vor.u32 v4, v6  }
0x236: {  	v4 =	vor.u32 v1, v4  }
0x237: {  	s7 =	sadd.s32 $0xFFFFFFF4, s5  }
0x238: {  	v50 =	vmov s7  }
0x239: {  	v51 =	vor.u32 s7, v0;
	v6 =	vshll.u32 v50, $0x3  }
0x23a: {  	v6 =	vand.u32 $0x7C00, v6;
	[tilespmem:s18+$0x30] =	vst v5;
	v5 =	vand.u32 $0x73, v51  }
0x23b: {  	v5 =	vor.u32 v5, v6;
	v4 =	vld.idx.msk [tilespmem:v4+s17+$0x0], $0xffff  }
0x23c: {  	v5 =	vor.u32 v1, v5  }
0x23d: {  	s10 =	sadd.s32 $0xFFFFFFF6, s5  }
0x23e: {  	v52 =	vmov s10  }
0x23f: {  	s8 =	sadd.s32 $0x80, s18;
	v53 =	vor.u32 s10, v0;
	v6 =	vshll.u32 v52, $0x3  }
0x240: {  	v6 =	vand.u32 $0x7C00, v6;
	[tilespmem:s8+$0xFFFFFFC0] =	vst v4;
	v4 =	vand.u32 $0x75, v53  }
0x241: {  	v5 =	vld.idx.msk [tilespmem:v5+s17+$0x0], $0xffff;
	v4 =	vor.u32 v4, v6  }
0x242: {  	v4 =	vor.u32 v1, v4  }
0x243: {  	s11 =	sadd.s32 $0xFFFFFFF8, s5  }
0x244: {  	v54 =	vmov s11  }
0x245: {  	v55 =	vor.u32 s11, v0;
	v6 =	vshll.u32 v54, $0x3  }
0x246: {  	v6 =	vand.u32 $0x7C00, v6;
	[tilespmem:s8+$0xFFFFFFD0] =	vst v5;
	v5 =	vand.u32 $0x77, v55  }
0x247: {  	v4 =	vld.idx.msk [tilespmem:v4+s17+$0x0], $0xffff;
	v5 =	vor.u32 v5, v6  }
0x248: {  	v5 =	vor.u32 v1, v5  }
0x249: {  	s18 =	sadd.s32 $0xFFFFFFFA, s5  }
0x24a: {  	v56 =	vmov s18  }
0x24b: {  	v57 =	vor.u32 s18, v0;
	v6 =	vshll.u32 v56, $0x3  }
0x24c: {  	v6 =	vand.u32 $0x7C00, v6;
	[tilespmem:s8+$0xFFFFFFE0] =	vst v4;
	v4 =	vand.u32 $0x79, v57  }
0x24d: {  	v5 =	vld.idx.msk [tilespmem:v5+s17+$0x0], $0xffff;
	v4 =	vor.u32 v4, v6  }
0x24e: {  	v4 =	vor.u32 v1, v4  }
0x24f: {  	s9 =	sadd.s32 $0xFFFFFFFC, s5  }
0x250: {  	v58 =	vmov s9  }
0x251: {  	v59 =	vor.u32 s9, v0;
	v6 =	vshll.u32 v58, $0x3  }
0x252: {  	v6 =	vand.u32 $0x7C00, v6;
	[tilespmem:s8+$0xFFFFFFF0] =	vst v5;
	v5 =	vand.u32 $0x7B, v59  }
0x253: {  	v4 =	vld.idx.msk [tilespmem:v4+s17+$0x0], $0xffff;
	v5 =	vor.u32 v5, v6  }
0x254: {  	v5 =	vor.u32 v1, v5  }
0x255: {  	s10 =	sadd.s32 $0xFFFFFFFE, s5  }
0x256: {  	v60 =	vmov s10  }
0x257: {  	v61 =	vor.u32 s10, v0;
	v6 =	vshll.u32 v60, $0x3  }
0x258: {  	v6 =	vand.u32 $0x7C00, v6;
	[tilespmem:s8+$0x0] =	vst v4;
	v4 =	vand.u32 $0x7D, v61  }
0x259: {  	v5 =	vld.idx.msk [tilespmem:v5+s17+$0x0], $0xffff;
	v4 =	vor.u32 v4, v6  }
0x25a: {  	v4 =	vor.u32 v1, v4;
	_ =	sdelay $0x1  }
0x25b: {  	v62 =	vmov s5  }
0x25c: {  	v63 =	vor.u32 s5, v0;
	v6 =	vshll.u32 v62, $0x3  }
0x25d: {  	v6 =	vand.u32 $0x7C00, v6;
	[tilespmem:s8+$0x10] =	vst v5;
	v5 =	vand.u32 $0x7F, v63  }
0x25e: {  	v4 =	vld.idx.msk [tilespmem:v4+s17+$0x0], $0xffff;
	v5 =	vor.u32 v5, v6  }
0x25f: {  	v5 =	vor.u32 v1, v5;
	_ =	sdelay $0x3  }
0x260: {  	[tilespmem:s8+$0x20] =	vst v4  }
0x261: {  	v4 =	vld.idx.msk [tilespmem:v5+s17+$0x0], $0xffff;
	_ =	sdelay $0x4  }
0x262: {  	s11 =	rddreg [dreg:$0x10];
	s18 =	simm.s32 $0xBC00;
	[tilespmem:s8+$0x30] =	vst v4  }
0x263: {  	[hbm4b:s11+s4] =	stream.linear.scatter [tilespmem:s18], [sflag:$0x2], $0x6400, $0x38;
	[tilespmem:$0x15280] =	vst v63  }
0x264: {  	_ =	swait.ge [sflag:s19], $0x6400  }
0x265: {  	[sflag:s19] =	ssyncset.done $0x0  }
0x266: {  	[sflag:s19] =	ssyncadd.s32 $0xFFFF9C00  }
.LBB2_10:
.Ltmp7:
0x267: {  	(pc) =	sbr.rel @p2 .LBB2_14-.Ltmp7, $1  }
0x268: {  	_ =	sdelay $0x3  }
0x269: {  	s5 =	simm.s32 $0x0  }
0x26a: {  	v4 =	vmov s5  }
0x26b: {  	v5 =	vshll.u32 v4, $0x3  }
0x26c: {  	v4 =	vand.u32 $0x78, v4;
	v5 =	vand.u32 $0xC00, v5  }
0x26d: {  	v4 =	vor.u32 v4, v5  }
0x26e: {  	s11 =	rddreg [dreg:$0x12];
	s7 =	simm.s32 $0xC00;
	s8 =	simm.s32 $0x13C00;
	v6 =	vadd.s32 v2, v4  }
0x26f: {  	[tilespmem:s21], [sflag:$0x2] =	stream.strided.gather [hbm4b:s11+s7], $0x1800, s8, s7, $0x38;
	[tilespmem:$0x15280] =	vst v63  }
0x270: {  	_ =	swait.ge [sflag:s19], $0x1800  }
0x271: {  	[sflag:s19] =	ssyncset.done $0x0  }
0x272: {  	[sflag:s19] =	ssyncadd.s32 $0xFFFFE800  }
0x273: {  	v5 =	vld.idx.msk [tilespmem:v6+s21+$0x0], $0xffff  }
0x274: {  	v7 =	vor.u32 $0x1, v6;
	_ =	sdelay $0x2  }
0x275: {  	s5 =	simm.s32 $0x13840  }
0x276: {  	[tilespmem:s5+$0xFFFFFFC0] =	vst v5  }
0x277: {  	v5 =	vld.idx.msk [tilespmem:v7+s21+$0x0], $0xffff  }
0x278: {  	v7 =	vor.u32 $0x2, v6;
	_ =	sdelay $0x3  }
0x279: {  	[tilespmem:s5+$0xFFFFFFD0] =	vst v5  }
0x27a: {  	v5 =	vld.idx.msk [tilespmem:v7+s21+$0x0], $0xffff  }
0x27b: {  	v4 =	vadd.s32 v3, v4;
	_ =	sdelay $0x3  }
0x27c: {  	[tilespmem:s5+$0xFFFFFFE0] =	vst v5  }
0x27d: {  	v4 =	vld.idx.msk [tilespmem:v4+s21+$0x0], $0xffff  }
0x27e: {  	v5 =	vor.u32 $0x4, v6;
	_ =	sdelay $0x3  }
0x27f: {  	[tilespmem:s5+$0xFFFFFFF0] =	vst v4  }
0x280: {  	v4 =	vld.idx.msk [tilespmem:v5+s21+$0x0], $0xffff  }
0x281: {  	v5 =	vor.u32 $0x5, v6;
	_ =	sdelay $0x3  }
0x282: {  	[tilespmem:s5+$0x0] =	vst v4  }
0x283: {  	v4 =	vld.idx.msk [tilespmem:v5+s21+$0x0], $0xffff  }
0x284: {  	v5 =	vor.u32 $0x6, v6;
	_ =	sdelay $0x3  }
0x285: {  	[tilespmem:s5+$0x10] =	vst v4  }
0x286: {  	v5 =	vld.idx.msk [tilespmem:v5+s21+$0x0], $0xffff  }
0x287: {  	v4 =	vor.u32 $0x7, v6;
	_ =	sdelay $0x1  }
0x288: {  	s18 =	simm.s32 $0x8  }
0x289: {  	s7 =	simm.s32 $0x10;
	v6 =	vmov s18  }
.LBB2_12:
0x28a: {  	p3 =	sne.s32 s7, $0x178;
	v7 =	vshll.u32 v6, $0x3;
	[tilespmem:s5+$0x20] =	vst v5  }
0x28b: {  	v5 =	vand.u32 $0x78, v6;
	v6 =	vand.u32 $0xC00, v7;
	v4 =	vld.idx.msk [tilespmem:v4+s21+$0x0], $0xffff  }
0x28c: {  	v5 =	vor.u32 v5, v6  }
0x28d: {  	v6 =	vadd.s32 v2, v5;
	_ =	sdelay $0x3  }
0x28e: {  	[tilespmem:s5+$0x30] =	vst v4  }
0x28f: {  	v4 =	vld.idx.msk [tilespmem:v6+s21+$0x0], $0xffff;
	_ =	sdelay $0x1  }
0x290: {  	v7 =	vor.u32 $0x1, v6;
	_ =	sdelay $0x2  }
0x291: {  	s5 =	sadd.s32 $0x80, s5  }
0x292: {  	[tilespmem:s5+$0xFFFFFFC0] =	vst v4  }
0x293: {  	v4 =	vld.idx.msk [tilespmem:v7+s21+$0x0], $0xffff;
	_ =	sdelay $0x1  }
0x294: {  	v7 =	vor.u32 $0x2, v6;
	_ =	sdelay $0x3  }
0x295: {  	[tilespmem:s5+$0xFFFFFFD0] =	vst v4  }
0x296: {  	v4 =	vld.idx.msk [tilespmem:v7+s21+$0x0], $0xffff;
	_ =	sdelay $0x1  }
0x297: {  	v5 =	vadd.s32 v3, v5;
	_ =	sdelay $0x3  }
0x298: {  	[tilespmem:s5+$0xFFFFFFE0] =	vst v4  }
0x299: {  	v4 =	vld.idx.msk [tilespmem:v5+s21+$0x0], $0xffff;
	_ =	sdelay $0x1  }
0x29a: {  	v5 =	vor.u32 $0x4, v6;
	_ =	sdelay $0x3  }
0x29b: {  	[tilespmem:s5+$0xFFFFFFF0] =	vst v4  }
0x29c: {  	v4 =	vld.idx.msk [tilespmem:v5+s21+$0x0], $0xffff;
	_ =	sdelay $0x1  }
0x29d: {  	v5 =	vor.u32 $0x5, v6;
	_ =	sdelay $0x3  }
0x29e: {  	[tilespmem:s5+$0x0] =	vst v4  }
0x29f: {  	v4 =	vld.idx.msk [tilespmem:v5+s21+$0x0], $0xffff;
	_ =	sdelay $0x1  }
0x2a0: {  	v5 =	vor.u32 $0x6, v6;
	_ =	sdelay $0x3  }
0x2a1: {  	[tilespmem:s5+$0x10] =	vst v4  }
0x2a2: {  	v5 =	vld.idx.msk [tilespmem:v5+s21+$0x0], $0xffff  }
.Ltmp8:
0x2a3: {  	(pc) =	sbr.rel @p3 .LBB2_12-.Ltmp8, $2  }
0x2a4: {  	v4 =	vor.u32 $0x7, v6;
	_ =	sdelay $0x2  }
0x2a5: {  	v6 =	vmov s7;
	s7 =	sadd.s32 $0x8, s7  }
.Ltmp9:
0x2a6: {  	_ = 	snop;
	(pc) =	sbr.rel .LBB2_13-.Ltmp9, $1  }
0x2a7: {  	_ =	sdelay $0x3  }
.LBB2_15:
0x2a8: {  	_ =	sfence.sel $0x180000  }
0x2a9: {  	[bflag:$0x0] =	sbarrier.arrive $0xFFFF  }
0x2aa: {  	_ =	strace $0x90000047  }
0x2ab: {  	s0 =	stileid.u32;
	[bflag:$0x2] =	sbarrier.arrive $0xFFFF  }
0x2ac: {  	p0 =	sne.s32 s0, $0x0;
	s0 =	rddreg [dreg:$0x8]  }
0x2ad: {  	s0 =	sadd.s32 @!p0 $0x100000, s0  }
0x2ae: {  	[sflag:s0] =	ssyncadd.tile.s32 @!p0 $0x1;
	_ =	shalt  }
.Lfunc_end2:
_tile_overlayer_lowered:
.L_overlay_start_2:
0x2af: {  	(tag) =	ssettag $0x2  }
0x2b0: {  	s0 =	rddreg [dreg:$0x0];
	s2 =	stileid.u32  }
0x2b1: {  	s1 =	rddreg [dreg:$0x1];
	p0 =	sne.s32 s2, $0x0  }
0x2b2: {  	s3 =	rddreg [dreg:$0x2];
	[bflag:$0x3] =	sbarrier.arrive $0xFFFF;
	s2 =	simm.s32 @!p0 $0x1C02  }
0x2b3: {  	[timem:s3], [sflag:s2] =	dma.local @!p0 [hbm:s0], s1  }
0x2b4: {  	s0 =	simm.s32 @!p0 $0x2  }
0x2b5: {  	_ =	swait.ge @!p0 [sflag:s0], s1  }
0x2b6: {  	s1 =	ssub.s32 @!p0 $0x0, s1;
	[sflag:s0] =	ssyncset.done @!p0 $0x0  }
0x2b7: {  	[sflag:s0] =	ssyncadd.s32 @!p0 s1  }
0x2b8: {  	[bflag:$0x3] =	sbarrier.arrive $0xFFFF  }
0x2b9: {  	_ =	shalt  }

</sc_bundles>
